<compile_context>
chip_gen: v7x
topology: tpu7x:2x2x1
jax: 0.10.2.dev20260603
libtpu: 0.0.44.dev20260713+nightly
codegen_flags: <defaults>
</compile_context>

<pallas_src>
import functools

import jax
import jax.numpy as jnp
from jax import lax
from jax.experimental import pallas as pl
from jax.experimental.pallas import tpu as pltpu
from jax.experimental.pallas import tpu_sc as plsc


def _topk_body(x1_ref, x2t_ref, idx_ref, w_ref, *, S, b0):
    b = pl.program_id(0) + b0
    x1 = x1_ref[0]
    x2 = x2t_ref[0]
    NT = x1.shape[0]
    d = None
    for c in range(3):
        diff = x1[:, c:c + 1] - x2[c:c + 1, :]
        sq = diff * diff
        d = sq if d is None else d + sq
    iota_f = lax.broadcasted_iota(jnp.int32, (NT, S), 1).astype(jnp.float32)
    idxs, ws = [], []
    for k in range(3):
        m = jnp.min(d, axis=1, keepdims=True)
        ikf = jnp.min(jnp.where(d == m, iota_f, jnp.float32(S)),
                      axis=1, keepdims=True)
        idxs.append(ikf.astype(jnp.int32))
        ws.append(1.0 / (m + 1e-8))
        if k < 2:
            d = jnp.where(iota_f == ikf, jnp.float32(jnp.inf), d)
    wcat = jnp.concatenate(ws, axis=1)
    wcat = wcat / jnp.sum(wcat, axis=1, keepdims=True)
    icat = jnp.concatenate(idxs, axis=1) + b * S
    idx_ref[0] = icat
    w_ref[0] = wcat


def _topk(xyz1, xyz2t, NT, b0, Bh):
    _, N, _ = xyz1.shape
    S = xyz2t.shape[2]
    grid = (Bh, N // NT)
    return pl.pallas_call(
        functools.partial(_topk_body, S=S, b0=b0),
        grid=grid,
        in_specs=[
            pl.BlockSpec((1, NT, 3), lambda b, i: (b0 + b, i, 0)),
            pl.BlockSpec((1, 3, S), lambda b, i: (b0 + b, 0, 0)),
        ],
        out_specs=[
            pl.BlockSpec((1, NT, 3), lambda b, i: (b, i, 0)),
            pl.BlockSpec((1, NT, 3), lambda b, i: (b, i, 0)),
        ],
        out_shape=[
            jax.ShapeDtypeStruct((Bh, N, 3), jnp.int32),
            jax.ShapeDtypeStruct((Bh, N, 3), jnp.float32),
        ],
    )(xyz1, xyz2t)


def _sc_gather(table, idx, CH=128):
    M, = idx.shape
    R, C = table.shape
    info = plsc.get_sparse_core_info()
    NW = info.num_cores * info.num_subcores
    n_ch = M // (NW * CH)
    idx2 = idx.reshape(M // CH, CH)
    mesh = plsc.VectorSubcoreMesh(core_axis_name="c", subcore_axis_name="s")

    per_w = n_ch * CH
    idx2 = idx.reshape(NW, per_w)

    @functools.partial(
        pl.kernel,
        mesh=mesh,
        out_type=jax.ShapeDtypeStruct((M // CH, CH, C), jnp.float32),
        scratch_types=[
            pltpu.VMEM((per_w,), jnp.int32),
            pltpu.VMEM((CH, C), jnp.float32),
            pltpu.VMEM((CH, C), jnp.float32),
            pltpu.SemaphoreType.DMA,
            pltpu.SemaphoreType.DMA,
        ],
    )
    def gather_k(idx_hbm, table_hbm, out_hbm, idx_v, rows0, rows1, sem0, sem1):
        wid = lax.axis_index("c") * info.num_subcores + lax.axis_index("s")
        pltpu.sync_copy(idx_hbm.at[wid], idx_v)
        pltpu.async_copy(table_hbm.at[idx_v.at[pl.ds(0, CH)]], rows0, sem0)

        def body(jj, carry):
            for p in range(2):
                j = jj * 2 + p
                rows_cur, sem_cur = (rows0, sem0) if p == 0 else (rows1, sem1)
                rows_nxt, sem_nxt = (rows1, sem1) if p == 0 else (rows0, sem0)

                @pl.when(j + 1 < n_ch)
                def _():
                    off = pl.multiple_of((j + 1) * CH, CH)
                    pltpu.async_copy(table_hbm.at[idx_v.at[pl.ds(off, CH)]],
                                     rows_nxt, sem_nxt)

                pltpu.make_async_copy(table_hbm.at[idx_v.at[pl.ds(0, CH)]],
                                      rows_cur, sem_cur).wait()
                pltpu.sync_copy(rows_cur, out_hbm.at[wid * n_ch + j])
            return carry

        lax.fori_loop(0, n_ch // 2, body, 0)

    return gather_k(idx2, table).reshape(M, C)


def _mlp1_body(g_ref, w_ref, p1_ref, W1t_ref, b1_ref, y_ref, s_ref):
    first = (pl.program_id(0) == 0) & (pl.program_id(1) == 0)
    g = g_ref[...]
    w = w_ref[0]
    interp = (g[0, 0] * w[:, 0:1] + g[1, 0] * w[:, 1:2] + g[2, 0] * w[:, 2:3])
    x = jnp.concatenate([p1_ref[0], interp], axis=1)
    y = jnp.dot(x, W1t_ref[...], preferred_element_type=jnp.float32)
    y = y + b1_ref[...]
    y_ref[0] = y
    acc = jnp.concatenate([jnp.sum(y, axis=0, keepdims=True),
                           jnp.sum(y * y, axis=0, keepdims=True)], axis=0)

    @pl.when(first)
    def _():
        s_ref[...] = jnp.zeros_like(s_ref)

    s_ref[...] += acc


def _mlp1(g4, w3, p1t, W1t, b1row, NT, b0):
    _, Bh, N, C2 = g4.shape
    C1 = p1t.shape[2]
    Co = W1t.shape[1]
    grid = (Bh, N // NT)
    return pl.pallas_call(
        _mlp1_body,
        grid=grid,
        in_specs=[
            pl.BlockSpec((3, 1, NT, C2), lambda b, i: (0, b, i, 0)),
            pl.BlockSpec((1, NT, 3), lambda b, i: (b, i, 0)),
            pl.BlockSpec((1, NT, C1), lambda b, i: (b0 + b, i, 0)),
            pl.BlockSpec((C1 + C2, Co), lambda b, i: (0, 0)),
            pl.BlockSpec((1, Co), lambda b, i: (0, 0)),
        ],
        out_specs=[
            pl.BlockSpec((1, NT, Co), lambda b, i: (b, i, 0)),
            pl.BlockSpec((2, Co), lambda b, i: (0, 0)),
        ],
        out_shape=[
            jax.ShapeDtypeStruct((Bh, N, Co), jnp.float32),
            jax.ShapeDtypeStruct((2, Co), jnp.float32),
        ],
    )(g4, w3, p1t, W1t, b1row)


def _scale_shift(sa, sb, gb, count):
    s = sa + sb
    mean = s[0:1, :] / count
    var = s[1:2, :] / count - mean * mean
    scale = gb[0:1, :] * lax.rsqrt(var + 1e-5)
    shift = gb[1:2, :] - mean * scale
    return scale, shift


def _mlp2_body(y1_ref, sa_ref, sb_ref, gb_ref, W2t_ref, b2_ref, y2_ref, s_ref,
               *, count):
    first = (pl.program_id(0) == 0) & (pl.program_id(1) == 0)
    scale, shift = _scale_shift(sa_ref[...], sb_ref[...], gb_ref[...], count)
    z = jnp.maximum(y1_ref[0] * scale + shift, 0.0)
    y2 = jnp.dot(z, W2t_ref[...], preferred_element_type=jnp.float32)
    y2 = y2 + b2_ref[...]
    y2_ref[0] = y2
    acc = jnp.concatenate([jnp.sum(y2, axis=0, keepdims=True),
                           jnp.sum(y2 * y2, axis=0, keepdims=True)], axis=0)

    @pl.when(first)
    def _():
        s_ref[...] = jnp.zeros_like(s_ref)

    s_ref[...] += acc


def _mlp2(y1, sa, sb, gb, W2t, b2row, NT, count):
    B, N, Ci = y1.shape
    Co = W2t.shape[1]
    grid = (B, N // NT)
    return pl.pallas_call(
        functools.partial(_mlp2_body, count=count),
        grid=grid,
        in_specs=[
            pl.BlockSpec((1, NT, Ci), lambda b, i: (b, i, 0)),
            pl.BlockSpec((2, Ci), lambda b, i: (0, 0)),
            pl.BlockSpec((2, Ci), lambda b, i: (0, 0)),
            pl.BlockSpec((2, Ci), lambda b, i: (0, 0)),
            pl.BlockSpec((Ci, Co), lambda b, i: (0, 0)),
            pl.BlockSpec((1, Co), lambda b, i: (0, 0)),
        ],
        out_specs=[
            pl.BlockSpec((1, NT, Co), lambda b, i: (b, i, 0)),
            pl.BlockSpec((2, Co), lambda b, i: (0, 0)),
        ],
        out_shape=[
            jax.ShapeDtypeStruct((B, N, Co), jnp.float32),
            jax.ShapeDtypeStruct((2, Co), jnp.float32),
        ],
    )(y1, sa, sb, gb, W2t, b2row)


def _bn2_body(y2_ref, sa_ref, sb_ref, gb_ref, o_ref, *, count):
    scale, shift = _scale_shift(sa_ref[...], sb_ref[...], gb_ref[...], count)
    z = jnp.maximum(y2_ref[0] * scale + shift, 0.0)
    o_ref[0] = z.T


def _bn2(y2, sa, sb, gb, NT, count):
    Bh, N, Co = y2.shape
    grid = (Bh, N // NT)
    return pl.pallas_call(
        functools.partial(_bn2_body, count=count),
        grid=grid,
        in_specs=[
            pl.BlockSpec((1, NT, Co), lambda b, i: (b, i, 0)),
            pl.BlockSpec((2, Co), lambda b, i: (0, 0)),
            pl.BlockSpec((2, Co), lambda b, i: (0, 0)),
            pl.BlockSpec((2, Co), lambda b, i: (0, 0)),
        ],
        out_specs=pl.BlockSpec((1, Co, NT), lambda b, i: (b, 0, i)),
        out_shape=jax.ShapeDtypeStruct((Bh, Co, N), jnp.float32),
    )(y2, sa, sb, gb)


def kernel(xyz1, xyz2, points1, points2, W1, b1, g1, be1, W2, b2, g2, be2):
    B, N, _ = xyz1.shape
    S = xyz2.shape[1]
    C1 = points1.shape[1]
    C2 = points2.shape[1]
    NT = 512

    xyz2t = jnp.transpose(xyz2, (0, 2, 1))
    pts2 = jnp.transpose(points2, (0, 2, 1)).reshape(B * S, C2)
    p1t = jnp.transpose(points1, (0, 2, 1))
    W1t, W2t = jnp.transpose(W1), jnp.transpose(W2)

    Bh = B // 2
    halves = []
    for h in range(2):
        b0 = h * Bh
        idx3, w3 = _topk(xyz1, xyz2t, NT, b0, Bh)
        idx_flat = jnp.transpose(idx3, (2, 0, 1)).reshape(-1)
        gathered = _sc_gather(pts2, idx_flat)
        halves.append((gathered.reshape(3, Bh, N, C2), w3, b0))

    cnt = float(B * N)
    gb1 = jnp.stack([g1, be1])
    gb2 = jnp.stack([g2, be2])
    y1s, s1s = [], []
    for g4, w3, b0 in halves:
        y1, s1 = _mlp1(g4, w3, p1t, W1t, b1[None, :], NT, b0)
        y1s.append(y1)
        s1s.append(s1)
    y2s, s2s = [], []
    for y1 in y1s:
        y2, s2 = _mlp2(y1, s1s[0], s1s[1], gb1, W2t, b2[None, :], NT, cnt)
        y2s.append(y2)
        s2s.append(s2)
    outs = [_bn2(y2, s2s[0], s2s[1], gb2, NT, cnt) for y2 in y2s]
    return jnp.concatenate(outs, axis=0)

# --- scband reference (transcript-rebuilt; emitter-appended) ---
"""Pipeline reference for scband-point-net-feature-propagation-59717225284068 (READ-ONLY COPY).

The authoritative reference and input builder live on the scoring server;
editing this copy changes nothing except your own understanding.
"""

import jax, jax.numpy as jnp
import numpy as np


def _bn_relu(y, g, b):
    # BatchNorm1d in training mode (batch statistics, biased variance), then ReLU
    mean = jnp.mean(y, axis=(0, 2), keepdims=True)
    var = jnp.mean((y - mean) ** 2, axis=(0, 2), keepdims=True)
    yn = (y - mean) / jnp.sqrt(var + 1e-5)
    return jax.nn.relu(yn * g[None, :, None] + b[None, :, None])


def setup_inputs(seed: int = 0) -> dict:
    key = jax.random.key(seed)
    ks = jax.random.split(key, 8)
    B, N, S, C1, C2 = 8, 4096, 1024, 128, 256
    Cin = C1 + C2
    inp = {}
    inp['xyz1'] = jax.random.normal(ks[0], (B, N, 3), dtype=jnp.float32)
    inp['xyz2'] = jax.random.normal(ks[1], (B, S, 3), dtype=jnp.float32)
    inp['points1'] = jax.random.normal(ks[2], (B, C1, N), dtype=jnp.float32)
    inp['points2'] = jax.random.normal(ks[3], (B, C2, S), dtype=jnp.float32)
    # MLP params: Conv1d(kernel=1) weights + biases, BN gamma/beta per layer
    inp['W1'] = jax.random.normal(ks[4], (256, Cin), dtype=jnp.float32) * (1.0 / np.sqrt(Cin))
    inp['b1'] = jnp.zeros((256,), dtype=jnp.float32)
    inp['g1'] = jnp.ones((256,), dtype=jnp.float32)
    inp['be1'] = jnp.zeros((256,), dtype=jnp.float32)
    inp['W2'] = jax.random.normal(ks[5], (128, 256), dtype=jnp.float32) * (1.0 / np.sqrt(256))
    inp['b2'] = jnp.zeros((128,), dtype=jnp.float32)
    inp['g2'] = jnp.ones((128,), dtype=jnp.float32)
    inp['be2'] = jnp.zeros((128,), dtype=jnp.float32)
    return inp


def reference(xyz1, xyz2, points1, points2, W1, b1, g1, be1, W2, b2, g2, be2):
    # square_distance: [B, N, S]
    dists = jnp.sum((xyz1[:, :, None, :] - xyz2[:, None, :, :]) ** 2, axis=-1)
    # sort and take 3 nearest neighbors
    idx = jnp.argsort(dists, axis=-1)[:, :, :3]
    d3 = jnp.take_along_axis(dists, idx, axis=-1)
    dist_recip = 1.0 / (d3 + 1e-08)
    norm = jnp.sum(dist_recip, axis=2, keepdims=True)
    weight = dist_recip / norm
    # index_points: gather [B, N, 3, C2] from points2 permuted to [B, S, C2]
    pts2 = jnp.transpose(points2, (0, 2, 1))
    gathered = jax.vmap(lambda p, i: p[i])(pts2, idx)
    interpolated = jnp.sum(gathered * weight[..., None], axis=2)  # [B, N, C2]
    new_points = jnp.concatenate([jnp.transpose(points1, (0, 2, 1)), interpolated], axis=2)
    x = jnp.transpose(new_points, (0, 2, 1))  # [B, Cin, N]
    x = _bn_relu(jnp.einsum('oc,bcn->bon', W1, x) + b1[None, :, None], g1, be1)
    x = _bn_relu(jnp.einsum('oc,bcn->bon', W2, x) + b2[None, :, None], g2, be2)
    return x

if __name__ == "__main__":
    import jax
    _d = setup_inputs()
    print(jax.jit(kernel)(*tuple(_d.values())))

</pallas_src>

<mosaic_0001>
#map = affine_map<(d0, d1) -> (0, 0)>
#map1 = affine_map<(d0, d1) -> (0, 0, 0)>
module attributes {stable_mosaic.version = 14 : i64} {
  func.func @gather_k(%arg0: i32, %arg1: i32, %arg2: memref<32x1536xi32, #tpu.memory_space<hbm>>, %arg3: memref<8192x256xf32, #tpu.memory_space<hbm>>, %arg4: memref<384x128x256xf32, #tpu.memory_space<hbm>>, %arg5: memref<1536xi32, #tpu.memory_space<vmem>>, %arg6: memref<128x256xf32, #tpu.memory_space<vmem>>, %arg7: memref<128x256xf32, #tpu.memory_space<vmem>>, %arg8: memref<!tpu.dma_semaphore, #tpu.memory_space<semaphore_mem>>, %arg9: memref<!tpu.dma_semaphore, #tpu.memory_space<semaphore_mem>>) attributes {dimension_semantics = [#tpu.dimension_semantics<core_parallel>, #tpu.dimension_semantics<subcore_parallel>], iteration_bounds = array<i64: 2, 16>, scalar_prefetch = 0 : i64, scratch_operands = 5 : i64, tpu.core_type = #tpu.core_type<sc_vector_subcore>, window_params = [{transform_indices = #map}, {transform_indices = #map}, {transform_indices = #map1}]} {
    %mul3A = arith.constant 16 : i32
    %mul3A_0 = arith.muli %arg0, %mul3A : i32
    %add3A = arith.addi %mul3A_0, %arg1 : i32
    "tpu.region"() ({
      %run_scoped3A = tpu.sem_alloc : memref<!tpu.dma_semaphore, #tpu.memory_space<semaphore_mem>>
      %dma_start3A_10 = arith.constant 0 : i32
      %dma_start3A_11 = tpu.memref_slice %arg2[%add3A, %dma_start3A_10] : memref<32x1536xi32, #tpu.memory_space<hbm>> -> memref<1x1536xi32, #tpu.memory_space<hbm>>
      %dma_start3A_12 = tpu.memref_squeeze %dma_start3A_11 : memref<1x1536xi32, #tpu.memory_space<hbm>> -> memref<1536xi32, #tpu.memory_space<hbm>>
      %dma_start3A_13 = arith.constant 0 : i32
      %dma_start3A_14 = tpu.memref_slice %arg2[%add3A, %dma_start3A_13] : memref<32x1536xi32, #tpu.memory_space<hbm>> -> memref<1x1536xi32, #tpu.memory_space<hbm>>
      %dma_start3A_15 = tpu.memref_squeeze %dma_start3A_14 : memref<1x1536xi32, #tpu.memory_space<hbm>> -> memref<1536xi32, #tpu.memory_space<hbm>>
      tpu.enqueue_dma source(%dma_start3A_15 : memref<1536xi32, #tpu.memory_space<hbm>>) target(%arg5 : memref<1536xi32, #tpu.memory_space<vmem>>) target_semaphore(%run_scoped3A : memref<!tpu.dma_semaphore, #tpu.memory_space<semaphore_mem>>)
      %dma_wait3A = arith.constant 0 : i32
      %dma_wait3A_16 = tpu.memref_slice %arg2[%add3A, %dma_wait3A] : memref<32x1536xi32, #tpu.memory_space<hbm>> -> memref<1x1536xi32, #tpu.memory_space<hbm>>
      %dma_wait3A_17 = tpu.memref_squeeze %dma_wait3A_16 : memref<1x1536xi32, #tpu.memory_space<hbm>> -> memref<1536xi32, #tpu.memory_space<hbm>>
      %dma_wait3A_18 = arith.constant 0 : i32
      %dma_wait3A_19 = tpu.memref_slice %arg2[%add3A, %dma_wait3A_18] : memref<32x1536xi32, #tpu.memory_space<hbm>> -> memref<1x1536xi32, #tpu.memory_space<hbm>>
      %dma_wait3A_20 = tpu.memref_squeeze %dma_wait3A_19 : memref<1x1536xi32, #tpu.memory_space<hbm>> -> memref<1536xi32, #tpu.memory_space<hbm>>
      tpu.wait_dma2 semaphore(%run_scoped3A : memref<!tpu.dma_semaphore, #tpu.memory_space<semaphore_mem>>) src(%dma_wait3A_20 : memref<1536xi32, #tpu.memory_space<hbm>>) dst(%arg5 : memref<1536xi32, #tpu.memory_space<vmem>>)
      tpu.yield
    }) : () -> ()
    %dma_start3A = arith.constant 0 : i32
    %dma_start3A_1 = tpu.memref_slice %arg5[%dma_start3A] : memref<1536xi32, #tpu.memory_space<vmem>> -> memref<128xi32, #tpu.memory_space<vmem>>
    %dma_start3A_2 = arith.constant 0 : i32
    %dma_start3A_3 = arith.constant 0 : i32
    %dma_start3A_4 = tpu.memref_slice %arg3[%dma_start3A_2, %dma_start3A_3] : memref<8192x256xf32, #tpu.memory_space<hbm>> -> memref<8192x256xf32, #tpu.memory_space<hbm>>
    tpu.enqueue_indirect_dma source(%dma_start3A_4 : memref<8192x256xf32, #tpu.memory_space<hbm>>) target(%arg6 : memref<128x256xf32, #tpu.memory_space<vmem>>) offsets(%dma_start3A_1 : memref<128xi32, #tpu.memory_space<vmem>>) semaphore(%arg8 : memref<!tpu.dma_semaphore, #tpu.memory_space<semaphore_mem>>)
    %scan3A = arith.constant 0 : i32
    %scan3A_5 = arith.constant 0 : i32
    %scan3A_6 = arith.constant 6 : i32
    %scan3A_7 = arith.addi %scan3A_5, %scan3A_6 : i32
    %scan3A_8 = arith.constant 1 : i32
    scf.for %scan3A_10 = %scan3A_5 to %scan3A_7 step %scan3A_8  : i32 {
      %mul3A_11 = arith.constant 2 : i32
      %mul3A_12 = arith.muli %scan3A_10, %mul3A_11 : i32
      %add3A_13 = arith.constant 0 : i32
      %add3A_14 = arith.addi %mul3A_12, %add3A_13 : i32
      %add3A_15 = arith.constant 1 : i32
      %add3A_16 = arith.addi %add3A_14, %add3A_15 : i32
      %lt3A = arith.constant 12 : i32
      %lt3A_17 = arith.cmpi slt, %add3A_16, %lt3A : i32
      %convert_element_type3A = arith.extui %lt3A_17 : i1 to i32
      %cond3A = arith.constant 0 : i32
      %cond3A_18 = arith.cmpi ne, %convert_element_type3A, %cond3A : i32
      scf.if %cond3A_18 {
        %add3A_45 = arith.constant 1 : i32
        %add3A_46 = arith.addi %add3A_14, %add3A_45 : i32
        %mul3A_47 = arith.constant 128 : i32
        %mul3A_48 = arith.muli %add3A_46, %mul3A_47 : i32
        %multiple_of3A = tpu.assume_multiple %mul3A_48, 128 : i32
        %dma_start3A_49 = tpu.memref_slice %arg5[%multiple_of3A] : memref<1536xi32, #tpu.memory_space<vmem>> -> memref<128xi32, #tpu.memory_space<vmem>>
        %dma_start3A_50 = arith.constant 0 : i32
        %dma_start3A_51 = arith.constant 0 : i32
        %dma_start3A_52 = tpu.memref_slice %arg3[%dma_start3A_50, %dma_start3A_51] : memref<8192x256xf32, #tpu.memory_space<hbm>> -> memref<8192x256xf32, #tpu.memory_space<hbm>>
        tpu.enqueue_indirect_dma source(%dma_start3A_52 : memref<8192x256xf32, #tpu.memory_space<hbm>>) target(%arg7 : memref<128x256xf32, #tpu.memory_space<vmem>>) offsets(%dma_start3A_49 : memref<128xi32, #tpu.memory_space<vmem>>) semaphore(%arg9 : memref<!tpu.dma_semaphore, #tpu.memory_space<semaphore_mem>>)
      } else {
      }
      %dma_wait3A = arith.constant 0 : i32
      %dma_wait3A_19 = tpu.memref_slice %arg5[%dma_wait3A] : memref<1536xi32, #tpu.memory_space<vmem>> -> memref<128xi32, #tpu.memory_space<vmem>>
      %dma_wait3A_20 = arith.constant 0 : i32
      %dma_wait3A_21 = arith.constant 0 : i32
      %dma_wait3A_22 = tpu.memref_slice %arg3[%dma_wait3A_20, %dma_wait3A_21] : memref<8192x256xf32, #tpu.memory_space<hbm>> -> memref<8192x256xf32, #tpu.memory_space<hbm>>
      tpu.wait_indirect_dma semaphore(%arg8 : memref<!tpu.dma_semaphore, #tpu.memory_space<semaphore_mem>>) src(%dma_wait3A_22 : memref<8192x256xf32, #tpu.memory_space<hbm>>) dst(%arg6 : memref<128x256xf32, #tpu.memory_space<vmem>>)
      %mul3A_23 = arith.constant 12 : i32
      %mul3A_24 = arith.muli %add3A, %mul3A_23 : i32
      %add3A_25 = arith.addi %mul3A_24, %add3A_14 : i32
      "tpu.region"() ({
        %run_scoped3A = tpu.sem_alloc : memref<!tpu.dma_semaphore, #tpu.memory_space<semaphore_mem>>
        %dma_start3A_45 = arith.constant 0 : i32
        %dma_start3A_46 = arith.constant 0 : i32
        %dma_start3A_47 = tpu.memref_slice %arg4[%add3A_25, %dma_start3A_45, %dma_start3A_46] : memref<384x128x256xf32, #tpu.memory_space<hbm>> -> memref<1x128x256xf32, #tpu.memory_space<hbm>>
        %dma_start3A_48 = tpu.memref_squeeze %dma_start3A_47 : memref<1x128x256xf32, #tpu.memory_space<hbm>> -> memref<128x256xf32, #tpu.memory_space<hbm>>
        %dma_start3A_49 = arith.constant 0 : i32
        %dma_start3A_50 = arith.constant 0 : i32
        %dma_start3A_51 = tpu.memref_slice %arg4[%add3A_25, %dma_start3A_49, %dma_start3A_50] : memref<384x128x256xf32, #tpu.memory_space<hbm>> -> memref<1x128x256xf32, #tpu.memory_space<hbm>>
        %dma_start3A_52 = tpu.memref_squeeze %dma_start3A_51 : memref<1x128x256xf32, #tpu.memory_space<hbm>> -> memref<128x256xf32, #tpu.memory_space<hbm>>
        tpu.enqueue_dma source(%arg6 : memref<128x256xf32, #tpu.memory_space<vmem>>) target(%dma_start3A_52 : memref<128x256xf32, #tpu.memory_space<hbm>>) target_semaphore(%run_scoped3A : memref<!tpu.dma_semaphore, #tpu.memory_space<semaphore_mem>>)
        %dma_wait3A_53 = arith.constant 0 : i32
        %dma_wait3A_54 = arith.constant 0 : i32
        %dma_wait3A_55 = tpu.memref_slice %arg4[%add3A_25, %dma_wait3A_53, %dma_wait3A_54] : memref<384x128x256xf32, #tpu.memory_space<hbm>> -> memref<1x128x256xf32, #tpu.memory_space<hbm>>
        %dma_wait3A_56 = tpu.memref_squeeze %dma_wait3A_55 : memref<1x128x256xf32, #tpu.memory_space<hbm>> -> memref<128x256xf32, #tpu.memory_space<hbm>>
        %dma_wait3A_57 = arith.constant 0 : i32
        %dma_wait3A_58 = arith.constant 0 : i32
        %dma_wait3A_59 = tpu.memref_slice %arg4[%add3A_25, %dma_wait3A_57, %dma_wait3A_58] : memref<384x128x256xf32, #tpu.memory_space<hbm>> -> memref<1x128x256xf32, #tpu.memory_space<hbm>>
        %dma_wait3A_60 = tpu.memref_squeeze %dma_wait3A_59 : memref<1x128x256xf32, #tpu.memory_space<hbm>> -> memref<128x256xf32, #tpu.memory_space<hbm>>
        tpu.wait_dma2 semaphore(%run_scoped3A : memref<!tpu.dma_semaphore, #tpu.memory_space<semaphore_mem>>) src(%arg6 : memref<128x256xf32, #tpu.memory_space<vmem>>) dst(%dma_wait3A_60 : memref<128x256xf32, #tpu.memory_space<hbm>>)
        tpu.yield
      }) : () -> ()
      %mul3A_26 = arith.constant 2 : i32
      %mul3A_27 = arith.muli %scan3A_10, %mul3A_26 : i32
      %add3A_28 = arith.constant 1 : i32
      %add3A_29 = arith.addi %mul3A_27, %add3A_28 : i32
      %add3A_30 = arith.constant 1 : i32
      %add3A_31 = arith.addi %add3A_29, %add3A_30 : i32
      %lt3A_32 = arith.constant 12 : i32
      %lt3A_33 = arith.cmpi slt, %add3A_31, %lt3A_32 : i32
      %convert_element_type3A_34 = arith.extui %lt3A_33 : i1 to i32
      %cond3A_35 = arith.constant 0 : i32
      %cond3A_36 = arith.cmpi ne, %convert_element_type3A_34, %cond3A_35 : i32
      scf.if %cond3A_36 {
        %add3A_45 = arith.constant 1 : i32
        %add3A_46 = arith.addi %add3A_29, %add3A_45 : i32
        %mul3A_47 = arith.constant 128 : i32
        %mul3A_48 = arith.muli %add3A_46, %mul3A_47 : i32
        %multiple_of3A = tpu.assume_multiple %mul3A_48, 128 : i32
        %dma_start3A_49 = tpu.memref_slice %arg5[%multiple_of3A] : memref<1536xi32, #tpu.memory_space<vmem>> -> memref<128xi32, #tpu.memory_space<vmem>>
        %dma_start3A_50 = arith.constant 0 : i32
        %dma_start3A_51 = arith.constant 0 : i32
        %dma_start3A_52 = tpu.memref_slice %arg3[%dma_start3A_50, %dma_start3A_51] : memref<8192x256xf32, #tpu.memory_space<hbm>> -> memref<8192x256xf32, #tpu.memory_space<hbm>>
        tpu.enqueue_indirect_dma source(%dma_start3A_52 : memref<8192x256xf32, #tpu.memory_space<hbm>>) target(%arg6 : memref<128x256xf32, #tpu.memory_space<vmem>>) offsets(%dma_start3A_49 : memref<128xi32, #tpu.memory_space<vmem>>) semaphore(%arg8 : memref<!tpu.dma_semaphore, #tpu.memory_space<semaphore_mem>>)
      } else {
      }
      %dma_wait3A_37 = arith.constant 0 : i32
      %dma_wait3A_38 = tpu.memref_slice %arg5[%dma_wait3A_37] : memref<1536xi32, #tpu.memory_space<vmem>> -> memref<128xi32, #tpu.memory_space<vmem>>
      %dma_wait3A_39 = arith.constant 0 : i32
      %dma_wait3A_40 = arith.constant 0 : i32
      %dma_wait3A_41 = tpu.memref_slice %arg3[%dma_wait3A_39, %dma_wait3A_40] : memref<8192x256xf32, #tpu.memory_space<hbm>> -> memref<8192x256xf32, #tpu.memory_space<hbm>>
      tpu.wait_indirect_dma semaphore(%arg9 : memref<!tpu.dma_semaphore, #tpu.memory_space<semaphore_mem>>) src(%dma_wait3A_41 : memref<8192x256xf32, #tpu.memory_space<hbm>>) dst(%arg7 : memref<128x256xf32, #tpu.memory_space<vmem>>)
      %mul3A_42 = arith.constant 12 : i32
      %mul3A_43 = arith.muli %add3A, %mul3A_42 : i32
      %add3A_44 = arith.addi %mul3A_43, %add3A_29 : i32
      "tpu.region"() ({
        %run_scoped3A = tpu.sem_alloc : memref<!tpu.dma_semaphore, #tpu.memory_space<semaphore_mem>>
        %dma_start3A_45 = arith.constant 0 : i32
        %dma_start3A_46 = arith.constant 0 : i32
        %dma_start3A_47 = tpu.memref_slice %arg4[%add3A_44, %dma_start3A_45, %dma_start3A_46] : memref<384x128x256xf32, #tpu.memory_space<hbm>> -> memref<1x128x256xf32, #tpu.memory_space<hbm>>
        %dma_start3A_48 = tpu.memref_squeeze %dma_start3A_47 : memref<1x128x256xf32, #tpu.memory_space<hbm>> -> memref<128x256xf32, #tpu.memory_space<hbm>>
        %dma_start3A_49 = arith.constant 0 : i32
        %dma_start3A_50 = arith.constant 0 : i32
        %dma_start3A_51 = tpu.memref_slice %arg4[%add3A_44, %dma_start3A_49, %dma_start3A_50] : memref<384x128x256xf32, #tpu.memory_space<hbm>> -> memref<1x128x256xf32, #tpu.memory_space<hbm>>
        %dma_start3A_52 = tpu.memref_squeeze %dma_start3A_51 : memref<1x128x256xf32, #tpu.memory_space<hbm>> -> memref<128x256xf32, #tpu.memory_space<hbm>>
        tpu.enqueue_dma source(%arg7 : memref<128x256xf32, #tpu.memory_space<vmem>>) target(%dma_start3A_52 : memref<128x256xf32, #tpu.memory_space<hbm>>) target_semaphore(%run_scoped3A : memref<!tpu.dma_semaphore, #tpu.memory_space<semaphore_mem>>)
        %dma_wait3A_53 = arith.constant 0 : i32
        %dma_wait3A_54 = arith.constant 0 : i32
        %dma_wait3A_55 = tpu.memref_slice %arg4[%add3A_44, %dma_wait3A_53, %dma_wait3A_54] : memref<384x128x256xf32, #tpu.memory_space<hbm>> -> memref<1x128x256xf32, #tpu.memory_space<hbm>>
        %dma_wait3A_56 = tpu.memref_squeeze %dma_wait3A_55 : memref<1x128x256xf32, #tpu.memory_space<hbm>> -> memref<128x256xf32, #tpu.memory_space<hbm>>
        %dma_wait3A_57 = arith.constant 0 : i32
        %dma_wait3A_58 = arith.constant 0 : i32
        %dma_wait3A_59 = tpu.memref_slice %arg4[%add3A_44, %dma_wait3A_57, %dma_wait3A_58] : memref<384x128x256xf32, #tpu.memory_space<hbm>> -> memref<1x128x256xf32, #tpu.memory_space<hbm>>
        %dma_wait3A_60 = tpu.memref_squeeze %dma_wait3A_59 : memref<1x128x256xf32, #tpu.memory_space<hbm>> -> memref<128x256xf32, #tpu.memory_space<hbm>>
        tpu.wait_dma2 semaphore(%run_scoped3A : memref<!tpu.dma_semaphore, #tpu.memory_space<semaphore_mem>>) src(%arg7 : memref<128x256xf32, #tpu.memory_space<vmem>>) dst(%dma_wait3A_60 : memref<128x256xf32, #tpu.memory_space<hbm>>)
        tpu.yield
      }) : () -> ()
    }
    %scan3A_9 = arith.constant 6 : i32
    return
  }
}

#map = affine_map<(d0, d1) -> (0, 0)>
#map1 = affine_map<(d0, d1) -> (0, 0, 0)>
module attributes {stable_mosaic.version = 14 : i64} {
  func.func @gather_k(%arg0: i32, %arg1: i32, %arg2: memref<32x1536xi32, #tpu.memory_space<hbm>>, %arg3: memref<8192x256xf32, #tpu.memory_space<hbm>>, %arg4: memref<384x128x256xf32, #tpu.memory_space<hbm>>, %arg5: memref<1536xi32, #tpu.memory_space<vmem>>, %arg6: memref<128x256xf32, #tpu.memory_space<vmem>>, %arg7: memref<128x256xf32, #tpu.memory_space<vmem>>, %arg8: memref<!tpu.dma_semaphore, #tpu.memory_space<semaphore_mem>>, %arg9: memref<!tpu.dma_semaphore, #tpu.memory_space<semaphore_mem>>) attributes {dimension_semantics = [#tpu.dimension_semantics<core_parallel>, #tpu.dimension_semantics<subcore_parallel>], iteration_bounds = array<i64: 2, 16>, scalar_prefetch = 0 : i64, scratch_operands = 5 : i64, tpu.core_type = #tpu.core_type<sc_vector_subcore>, window_params = [{transform_indices = #map}, {transform_indices = #map}, {transform_indices = #map1}]} {
    %mul3A = arith.constant 16 : i32
    %mul3A_0 = arith.muli %arg0, %mul3A : i32
    %add3A = arith.addi %mul3A_0, %arg1 : i32
    "tpu.region"() ({
      %run_scoped3A = tpu.sem_alloc : memref<!tpu.dma_semaphore, #tpu.memory_space<semaphore_mem>>
      %dma_start3A_10 = arith.constant 0 : i32
      %dma_start3A_11 = tpu.memref_slice %arg2[%add3A, %dma_start3A_10] : memref<32x1536xi32, #tpu.memory_space<hbm>> -> memref<1x1536xi32, #tpu.memory_space<hbm>>
      %dma_start3A_12 = tpu.memref_squeeze %dma_start3A_11 : memref<1x1536xi32, #tpu.memory_space<hbm>> -> memref<1536xi32, #tpu.memory_space<hbm>>
      %dma_start3A_13 = arith.constant 0 : i32
      %dma_start3A_14 = tpu.memref_slice %arg2[%add3A, %dma_start3A_13] : memref<32x1536xi32, #tpu.memory_space<hbm>> -> memref<1x1536xi32, #tpu.memory_space<hbm>>
      %dma_start3A_15 = tpu.memref_squeeze %dma_start3A_14 : memref<1x1536xi32, #tpu.memory_space<hbm>> -> memref<1536xi32, #tpu.memory_space<hbm>>
      tpu.enqueue_dma source(%dma_start3A_15 : memref<1536xi32, #tpu.memory_space<hbm>>) target(%arg5 : memref<1536xi32, #tpu.memory_space<vmem>>) target_semaphore(%run_scoped3A : memref<!tpu.dma_semaphore, #tpu.memory_space<semaphore_mem>>)
      %dma_wait3A = arith.constant 0 : i32
      %dma_wait3A_16 = tpu.memref_slice %arg2[%add3A, %dma_wait3A] : memref<32x1536xi32, #tpu.memory_space<hbm>> -> memref<1x1536xi32, #tpu.memory_space<hbm>>
      %dma_wait3A_17 = tpu.memref_squeeze %dma_wait3A_16 : memref<1x1536xi32, #tpu.memory_space<hbm>> -> memref<1536xi32, #tpu.memory_space<hbm>>
      %dma_wait3A_18 = arith.constant 0 : i32
      %dma_wait3A_19 = tpu.memref_slice %arg2[%add3A, %dma_wait3A_18] : memref<32x1536xi32, #tpu.memory_space<hbm>> -> memref<1x1536xi32, #tpu.memory_space<hbm>>
      %dma_wait3A_20 = tpu.memref_squeeze %dma_wait3A_19 : memref<1x1536xi32, #tpu.memory_space<hbm>> -> memref<1536xi32, #tpu.memory_space<hbm>>
      tpu.wait_dma2 semaphore(%run_scoped3A : memref<!tpu.dma_semaphore, #tpu.memory_space<semaphore_mem>>) src(%dma_wait3A_20 : memref<1536xi32, #tpu.memory_space<hbm>>) dst(%arg5 : memref<1536xi32, #tpu.memory_space<vmem>>)
      tpu.yield
    }) : () -> ()
    %dma_start3A = arith.constant 0 : i32
    %dma_start3A_1 = tpu.memref_slice %arg5[%dma_start3A] : memref<1536xi32, #tpu.memory_space<vmem>> -> memref<128xi32, #tpu.memory_space<vmem>>
    %dma_start3A_2 = arith.constant 0 : i32
    %dma_start3A_3 = arith.constant 0 : i32
    %dma_start3A_4 = tpu.memref_slice %arg3[%dma_start3A_2, %dma_start3A_3] : memref<8192x256xf32, #tpu.memory_space<hbm>> -> memref<8192x256xf32, #tpu.memory_space<hbm>>
    tpu.enqueue_indirect_dma source(%dma_start3A_4 : memref<8192x256xf32, #tpu.memory_space<hbm>>) target(%arg6 : memref<128x256xf32, #tpu.memory_space<vmem>>) offsets(%dma_start3A_1 : memref<128xi32, #tpu.memory_space<vmem>>) semaphore(%arg8 : memref<!tpu.dma_semaphore, #tpu.memory_space<semaphore_mem>>)
    %scan3A = arith.constant 0 : i32
    %scan3A_5 = arith.constant 0 : i32
    %scan3A_6 = arith.constant 6 : i32
    %scan3A_7 = arith.addi %scan3A_5, %scan3A_6 : i32
    %scan3A_8 = arith.constant 1 : i32
    scf.for %scan3A_10 = %scan3A_5 to %scan3A_7 step %scan3A_8  : i32 {
      %mul3A_11 = arith.constant 2 : i32
      %mul3A_12 = arith.muli %scan3A_10, %mul3A_11 : i32
      %add3A_13 = arith.constant 0 : i32
      %add3A_14 = arith.addi %mul3A_12, %add3A_13 : i32
      %add3A_15 = arith.constant 1 : i32
      %add3A_16 = arith.addi %add3A_14, %add3A_15 : i32
      %lt3A = arith.constant 12 : i32
      %lt3A_17 = arith.cmpi slt, %add3A_16, %lt3A : i32
      %convert_element_type3A = arith.extui %lt3A_17 : i1 to i32
      %cond3A = arith.constant 0 : i32
      %cond3A_18 = arith.cmpi ne, %convert_element_type3A, %cond3A : i32
      scf.if %cond3A_18 {
        %add3A_45 = arith.constant 1 : i32
        %add3A_46 = arith.addi %add3A_14, %add3A_45 : i32
        %mul3A_47 = arith.constant 128 : i32
        %mul3A_48 = arith.muli %add3A_46, %mul3A_47 : i32
        %multiple_of3A = tpu.assume_multiple %mul3A_48, 128 : i32
        %dma_start3A_49 = tpu.memref_slice %arg5[%multiple_of3A] : memref<1536xi32, #tpu.memory_space<vmem>> -> memref<128xi32, #tpu.memory_space<vmem>>
        %dma_start3A_50 = arith.constant 0 : i32
        %dma_start3A_51 = arith.constant 0 : i32
        %dma_start3A_52 = tpu.memref_slice %arg3[%dma_start3A_50, %dma_start3A_51] : memref<8192x256xf32, #tpu.memory_space<hbm>> -> memref<8192x256xf32, #tpu.memory_space<hbm>>
        tpu.enqueue_indirect_dma source(%dma_start3A_52 : memref<8192x256xf32, #tpu.memory_space<hbm>>) target(%arg7 : memref<128x256xf32, #tpu.memory_space<vmem>>) offsets(%dma_start3A_49 : memref<128xi32, #tpu.memory_space<vmem>>) semaphore(%arg9 : memref<!tpu.dma_semaphore, #tpu.memory_space<semaphore_mem>>)
      } else {
      }
      %dma_wait3A = arith.constant 0 : i32
      %dma_wait3A_19 = tpu.memref_slice %arg5[%dma_wait3A] : memref<1536xi32, #tpu.memory_space<vmem>> -> memref<128xi32, #tpu.memory_space<vmem>>
      %dma_wait3A_20 = arith.constant 0 : i32
      %dma_wait3A_21 = arith.constant 0 : i32
      %dma_wait3A_22 = tpu.memref_slice %arg3[%dma_wait3A_20, %dma_wait3A_21] : memref<8192x256xf32, #tpu.memory_space<hbm>> -> memref<8192x256xf32, #tpu.memory_space<hbm>>
      tpu.wait_indirect_dma semaphore(%arg8 : memref<!tpu.dma_semaphore, #tpu.memory_space<semaphore_mem>>) src(%dma_wait3A_22 : memref<8192x256xf32, #tpu.memory_space<hbm>>) dst(%arg6 : memref<128x256xf32, #tpu.memory_space<vmem>>)
      %mul3A_23 = arith.constant 12 : i32
      %mul3A_24 = arith.muli %add3A, %mul3A_23 : i32
      %add3A_25 = arith.addi %mul3A_24, %add3A_14 : i32
      "tpu.region"() ({
        %run_scoped3A = tpu.sem_alloc : memref<!tpu.dma_semaphore, #tpu.memory_space<semaphore_mem>>
        %dma_start3A_45 = arith.constant 0 : i32
        %dma_start3A_46 = arith.constant 0 : i32
        %dma_start3A_47 = tpu.memref_slice %arg4[%add3A_25, %dma_start3A_45, %dma_start3A_46] : memref<384x128x256xf32, #tpu.memory_space<hbm>> -> memref<1x128x256xf32, #tpu.memory_space<hbm>>
        %dma_start3A_48 = tpu.memref_squeeze %dma_start3A_47 : memref<1x128x256xf32, #tpu.memory_space<hbm>> -> memref<128x256xf32, #tpu.memory_space<hbm>>
        %dma_start3A_49 = arith.constant 0 : i32
        %dma_start3A_50 = arith.constant 0 : i32
        %dma_start3A_51 = tpu.memref_slice %arg4[%add3A_25, %dma_start3A_49, %dma_start3A_50] : memref<384x128x256xf32, #tpu.memory_space<hbm>> -> memref<1x128x256xf32, #tpu.memory_space<hbm>>
        %dma_start3A_52 = tpu.memref_squeeze %dma_start3A_51 : memref<1x128x256xf32, #tpu.memory_space<hbm>> -> memref<128x256xf32, #tpu.memory_space<hbm>>
        tpu.enqueue_dma source(%arg6 : memref<128x256xf32, #tpu.memory_space<vmem>>) target(%dma_start3A_52 : memref<128x256xf32, #tpu.memory_space<hbm>>) target_semaphore(%run_scoped3A : memref<!tpu.dma_semaphore, #tpu.memory_space<semaphore_mem>>)
        %dma_wait3A_53 = arith.constant 0 : i32
        %dma_wait3A_54 = arith.constant 0 : i32
        %dma_wait3A_55 = tpu.memref_slice %arg4[%add3A_25, %dma_wait3A_53, %dma_wait3A_54] : memref<384x128x256xf32, #tpu.memory_space<hbm>> -> memref<1x128x256xf32, #tpu.memory_space<hbm>>
        %dma_wait3A_56 = tpu.memref_squeeze %dma_wait3A_55 : memref<1x128x256xf32, #tpu.memory_space<hbm>> -> memref<128x256xf32, #tpu.memory_space<hbm>>
        %dma_wait3A_57 = arith.constant 0 : i32
        %dma_wait3A_58 = arith.constant 0 : i32
        %dma_wait3A_59 = tpu.memref_slice %arg4[%add3A_25, %dma_wait3A_57, %dma_wait3A_58] : memref<384x128x256xf32, #tpu.memory_space<hbm>> -> memref<1x128x256xf32, #tpu.memory_space<hbm>>
        %dma_wait3A_60 = tpu.memref_squeeze %dma_wait3A_59 : memref<1x128x256xf32, #tpu.memory_space<hbm>> -> memref<128x256xf32, #tpu.memory_space<hbm>>
        tpu.wait_dma2 semaphore(%run_scoped3A : memref<!tpu.dma_semaphore, #tpu.memory_space<semaphore_mem>>) src(%arg6 : memref<128x256xf32, #tpu.memory_space<vmem>>) dst(%dma_wait3A_60 : memref<128x256xf32, #tpu.memory_space<hbm>>)
        tpu.yield
      }) : () -> ()
      %mul3A_26 = arith.constant 2 : i32
      %mul3A_27 = arith.muli %scan3A_10, %mul3A_26 : i32
      %add3A_28 = arith.constant 1 : i32
      %add3A_29 = arith.addi %mul3A_27, %add3A_28 : i32
      %add3A_30 = arith.constant 1 : i32
      %add3A_31 = arith.addi %add3A_29, %add3A_30 : i32
      %lt3A_32 = arith.constant 12 : i32
      %lt3A_33 = arith.cmpi slt, %add3A_31, %lt3A_32 : i32
      %convert_element_type3A_34 = arith.extui %lt3A_33 : i1 to i32
      %cond3A_35 = arith.constant 0 : i32
      %cond3A_36 = arith.cmpi ne, %convert_element_type3A_34, %cond3A_35 : i32
      scf.if %cond3A_36 {
        %add3A_45 = arith.constant 1 : i32
        %add3A_46 = arith.addi %add3A_29, %add3A_45 : i32
        %mul3A_47 = arith.constant 128 : i32
        %mul3A_48 = arith.muli %add3A_46, %mul3A_47 : i32
        %multiple_of3A = tpu.assume_multiple %mul3A_48, 128 : i32
        %dma_start3A_49 = tpu.memref_slice %arg5[%multiple_of3A] : memref<1536xi32, #tpu.memory_space<vmem>> -> memref<128xi32, #tpu.memory_space<vmem>>
        %dma_start3A_50 = arith.constant 0 : i32
        %dma_start3A_51 = arith.constant 0 : i32
        %dma_start3A_52 = tpu.memref_slice %arg3[%dma_start3A_50, %dma_start3A_51] : memref<8192x256xf32, #tpu.memory_space<hbm>> -> memref<8192x256xf32, #tpu.memory_space<hbm>>
        tpu.enqueue_indirect_dma source(%dma_start3A_52 : memref<8192x256xf32, #tpu.memory_space<hbm>>) target(%arg6 : memref<128x256xf32, #tpu.memory_space<vmem>>) offsets(%dma_start3A_49 : memref<128xi32, #tpu.memory_space<vmem>>) semaphore(%arg8 : memref<!tpu.dma_semaphore, #tpu.memory_space<semaphore_mem>>)
      } else {
      }
      %dma_wait3A_37 = arith.constant 0 : i32
      %dma_wait3A_38 = tpu.memref_slice %arg5[%dma_wait3A_37] : memref<1536xi32, #tpu.memory_space<vmem>> -> memref<128xi32, #tpu.memory_space<vmem>>
      %dma_wait3A_39 = arith.constant 0 : i32
      %dma_wait3A_40 = arith.constant 0 : i32
      %dma_wait3A_41 = tpu.memref_slice %arg3[%dma_wait3A_39, %dma_wait3A_40] : memref<8192x256xf32, #tpu.memory_space<hbm>> -> memref<8192x256xf32, #tpu.memory_space<hbm>>
      tpu.wait_indirect_dma semaphore(%arg9 : memref<!tpu.dma_semaphore, #tpu.memory_space<semaphore_mem>>) src(%dma_wait3A_41 : memref<8192x256xf32, #tpu.memory_space<hbm>>) dst(%arg7 : memref<128x256xf32, #tpu.memory_space<vmem>>)
      %mul3A_42 = arith.constant 12 : i32
      %mul3A_43 = arith.muli %add3A, %mul3A_42 : i32
      %add3A_44 = arith.addi %mul3A_43, %add3A_29 : i32
      "tpu.region"() ({
        %run_scoped3A = tpu.sem_alloc : memref<!tpu.dma_semaphore, #tpu.memory_space<semaphore_mem>>
        %dma_start3A_45 = arith.constant 0 : i32
        %dma_start3A_46 = arith.constant 0 : i32
        %dma_start3A_47 = tpu.memref_slice %arg4[%add3A_44, %dma_start3A_45, %dma_start3A_46] : memref<384x128x256xf32, #tpu.memory_space<hbm>> -> memref<1x128x256xf32, #tpu.memory_space<hbm>>
        %dma_start3A_48 = tpu.memref_squeeze %dma_start3A_47 : memref<1x128x256xf32, #tpu.memory_space<hbm>> -> memref<128x256xf32, #tpu.memory_space<hbm>>
        %dma_start3A_49 = arith.constant 0 : i32
        %dma_start3A_50 = arith.constant 0 : i32
        %dma_start3A_51 = tpu.memref_slice %arg4[%add3A_44, %dma_start3A_49, %dma_start3A_50] : memref<384x128x256xf32, #tpu.memory_space<hbm>> -> memref<1x128x256xf32, #tpu.memory_space<hbm>>
        %dma_start3A_52 = tpu.memref_squeeze %dma_start3A_51 : memref<1x128x256xf32, #tpu.memory_space<hbm>> -> memref<128x256xf32, #tpu.memory_space<hbm>>
        tpu.enqueue_dma source(%arg7 : memref<128x256xf32, #tpu.memory_space<vmem>>) target(%dma_start3A_52 : memref<128x256xf32, #tpu.memory_space<hbm>>) target_semaphore(%run_scoped3A : memref<!tpu.dma_semaphore, #tpu.memory_space<semaphore_mem>>)
        %dma_wait3A_53 = arith.constant 0 : i32
        %dma_wait3A_54 = arith.constant 0 : i32
        %dma_wait3A_55 = tpu.memref_slice %arg4[%add3A_44, %dma_wait3A_53, %dma_wait3A_54] : memref<384x128x256xf32, #tpu.memory_space<hbm>> -> memref<1x128x256xf32, #tpu.memory_space<hbm>>
        %dma_wait3A_56 = tpu.memref_squeeze %dma_wait3A_55 : memref<1x128x256xf32, #tpu.memory_space<hbm>> -> memref<128x256xf32, #tpu.memory_space<hbm>>
        %dma_wait3A_57 = arith.constant 0 : i32
        %dma_wait3A_58 = arith.constant 0 : i32
        %dma_wait3A_59 = tpu.memref_slice %arg4[%add3A_44, %dma_wait3A_57, %dma_wait3A_58] : memref<384x128x256xf32, #tpu.memory_space<hbm>> -> memref<1x128x256xf32, #tpu.memory_space<hbm>>
        %dma_wait3A_60 = tpu.memref_squeeze %dma_wait3A_59 : memref<1x128x256xf32, #tpu.memory_space<hbm>> -> memref<128x256xf32, #tpu.memory_space<hbm>>
        tpu.wait_dma2 semaphore(%run_scoped3A : memref<!tpu.dma_semaphore, #tpu.memory_space<semaphore_mem>>) src(%arg7 : memref<128x256xf32, #tpu.memory_space<vmem>>) dst(%dma_wait3A_60 : memref<128x256xf32, #tpu.memory_space<hbm>>)
        tpu.yield
      }) : () -> ()
    }
    %scan3A_9 = arith.constant 6 : i32
    return
  }
}

module attributes {stable_mosaic.version = 14 : i64} {
  func.func @_topk_body(%arg0: i32, %arg1: i32, %arg2: memref<1x512x3xf32, #tpu.memory_space<vmem>>, %arg3: memref<1x3x1024xf32, #tpu.memory_space<vmem>>, %arg4: memref<1x512x3xi32, #tpu.memory_space<vmem>>, %arg5: memref<1x512x3xf32, #tpu.memory_space<vmem>>) attributes {dimension_semantics = [#tpu.dimension_semantics<arbitrary>, #tpu.dimension_semantics<arbitrary>], iteration_bounds = array<i64: 4, 8>, scalar_prefetch = 0 : i64, scratch_operands = 0 : i64, tpu.core_type = #tpu.core_type<tc>, window_params = [{transform_indices = @transform_0, window_bounds = array<i64: 1, 512, 3>}, {transform_indices = @transform_1, window_bounds = array<i64: 1, 3, 1024>}, {transform_indices = @transform_2, window_bounds = array<i64: 1, 512, 3>}, {transform_indices = @transform_3, window_bounds = array<i64: 1, 512, 3>}]} {
    %add3A = arith.constant 4 : i32
    %add3A_0 = arith.addi %arg0, %add3A : i32
    %get3A = arith.constant 0 : index
    %get3A_1 = arith.constant 0 : index
    %get3A_2 = arith.constant 0 : index
    %get3A_3 = vector.load %arg2[%get3A, %get3A_1, %get3A_2] : memref<1x512x3xf32, #tpu.memory_space<vmem>>, vector<1x512x3xf32>
    %get3A_4 = vector.shape_cast %get3A_3 : vector<1x512x3xf32> to vector<512x3xf32>
    %get3A_5 = arith.constant 0 : index
    %get3A_6 = arith.constant 0 : index
    %get3A_7 = arith.constant 0 : index
    %get3A_8 = vector.load %arg3[%get3A_5, %get3A_6, %get3A_7] : memref<1x3x1024xf32, #tpu.memory_space<vmem>>, vector<1x3x1024xf32>
    %get3A_9 = vector.shape_cast %get3A_8 : vector<1x3x1024xf32> to vector<3x1024xf32>
    %slice3A = vector.extract_strided_slice %get3A_4 {offsets = [0, 0], sizes = [512, 1], strides = [1, 1]} : vector<512x3xf32> to vector<512x1xf32>
    %slice3A_10 = vector.extract_strided_slice %get3A_9 {offsets = [0, 0], sizes = [1, 1024], strides = [1, 1]} : vector<3x1024xf32> to vector<1x1024xf32>
    %sub3A = vector.broadcast %slice3A : vector<512x1xf32> to vector<512x1024xf32>
    %sub3A_11 = vector.broadcast %slice3A_10 : vector<1x1024xf32> to vector<512x1024xf32>
    %sub3A_12 = arith.subf %sub3A, %sub3A_11 : vector<512x1024xf32>
    %mul3A = arith.mulf %sub3A_12, %sub3A_12 : vector<512x1024xf32>
    %slice3A_13 = vector.extract_strided_slice %get3A_4 {offsets = [0, 1], sizes = [512, 1], strides = [1, 1]} : vector<512x3xf32> to vector<512x1xf32>
    %slice3A_14 = vector.extract_strided_slice %get3A_9 {offsets = [1, 0], sizes = [1, 1024], strides = [1, 1]} : vector<3x1024xf32> to vector<1x1024xf32>
    %sub3A_15 = vector.broadcast %slice3A_13 : vector<512x1xf32> to vector<512x1024xf32>
    %sub3A_16 = vector.broadcast %slice3A_14 : vector<1x1024xf32> to vector<512x1024xf32>
    %sub3A_17 = arith.subf %sub3A_15, %sub3A_16 : vector<512x1024xf32>
    %mul3A_18 = arith.mulf %sub3A_17, %sub3A_17 : vector<512x1024xf32>
    %add3A_19 = arith.addf %mul3A, %mul3A_18 : vector<512x1024xf32>
    %slice3A_20 = vector.extract_strided_slice %get3A_4 {offsets = [0, 2], sizes = [512, 1], strides = [1, 1]} : vector<512x3xf32> to vector<512x1xf32>
    %slice3A_21 = vector.extract_strided_slice %get3A_9 {offsets = [2, 0], sizes = [1, 1024], strides = [1, 1]} : vector<3x1024xf32> to vector<1x1024xf32>
    %sub3A_22 = vector.broadcast %slice3A_20 : vector<512x1xf32> to vector<512x1024xf32>
    %sub3A_23 = vector.broadcast %slice3A_21 : vector<1x1024xf32> to vector<512x1024xf32>
    %sub3A_24 = arith.subf %sub3A_22, %sub3A_23 : vector<512x1024xf32>
    %mul3A_25 = arith.mulf %sub3A_24, %sub3A_24 : vector<512x1024xf32>
    %add3A_26 = arith.addf %add3A_19, %mul3A_25 : vector<512x1024xf32>
    %iota3A = tpu.iota {dimensions = array<i32: 1>} : vector<512x1024xi32>
    %convert_element_type3A = arith.sitofp %iota3A : vector<512x1024xi32> to vector<512x1024xf32>
    %reduce_min3A = arith.constant dense<0x7F800000> : vector<512xf32>
    %reduce_min3A_27 = vector.multi_reduction <minimumf>, %add3A_26, %reduce_min3A [1] : vector<512x1024xf32> to vector<512xf32>
    %broadcast_in_dim3A = vector.shape_cast %reduce_min3A_27 : vector<512xf32> to vector<512x1xf32>
    %eq3A = vector.broadcast %broadcast_in_dim3A : vector<512x1xf32> to vector<512x1024xf32>
    %eq3A_28 = arith.cmpf oeq, %add3A_26, %eq3A : vector<512x1024xf32>
    %jit3A = arith.constant 1.024000e+03 : f32
    %broadcast_in_dim3A_29 = vector.broadcast %jit3A : f32 to vector<512x1024xf32>
    %select_n3A = arith.select %eq3A_28, %convert_element_type3A, %broadcast_in_dim3A_29 : vector<512x1024xi1>, vector<512x1024xf32>
    %reduce_min3A_30 = arith.constant dense<0x7F800000> : vector<512xf32>
    %reduce_min3A_31 = vector.multi_reduction <minimumf>, %select_n3A, %reduce_min3A_30 [1] : vector<512x1024xf32> to vector<512xf32>
    %broadcast_in_dim3A_32 = vector.shape_cast %reduce_min3A_31 : vector<512xf32> to vector<512x1xf32>
    %convert_element_type3A_33 = arith.fptosi %broadcast_in_dim3A_32 : vector<512x1xf32> to vector<512x1xi32>
    %add3A_34 = arith.constant 9.99999993E-9 : f32
    %add3A_35 = vector.broadcast %add3A_34 : f32 to vector<512x1xf32>
    %add3A_36 = arith.addf %broadcast_in_dim3A, %add3A_35 : vector<512x1xf32>
    %div3A = arith.constant 1.000000e+00 : f32
    %div3A_37 = vector.broadcast %div3A : f32 to vector<512x1xf32>
    %div3A_38 = arith.divf %div3A_37, %add3A_36 : vector<512x1xf32>
    %eq3A_39 = vector.broadcast %broadcast_in_dim3A_32 : vector<512x1xf32> to vector<512x1024xf32>
    %eq3A_40 = arith.cmpf oeq, %convert_element_type3A, %eq3A_39 : vector<512x1024xf32>
    %jit3A_41 = arith.constant 0x7F800000 : f32
    %broadcast_in_dim3A_42 = vector.broadcast %jit3A_41 : f32 to vector<512x1024xf32>
    %select_n3A_43 = arith.select %eq3A_40, %broadcast_in_dim3A_42, %add3A_26 : vector<512x1024xi1>, vector<512x1024xf32>
    %reduce_min3A_44 = arith.constant dense<0x7F800000> : vector<512xf32>
    %reduce_min3A_45 = vector.multi_reduction <minimumf>, %select_n3A_43, %reduce_min3A_44 [1] : vector<512x1024xf32> to vector<512xf32>
    %broadcast_in_dim3A_46 = vector.shape_cast %reduce_min3A_45 : vector<512xf32> to vector<512x1xf32>
    %eq3A_47 = vector.broadcast %broadcast_in_dim3A_46 : vector<512x1xf32> to vector<512x1024xf32>
    %eq3A_48 = arith.cmpf oeq, %select_n3A_43, %eq3A_47 : vector<512x1024xf32>
    %jit3A_49 = arith.constant 1.024000e+03 : f32
    %broadcast_in_dim3A_50 = vector.broadcast %jit3A_49 : f32 to vector<512x1024xf32>
    %select_n3A_51 = arith.select %eq3A_48, %convert_element_type3A, %broadcast_in_dim3A_50 : vector<512x1024xi1>, vector<512x1024xf32>
    %reduce_min3A_52 = arith.constant dense<0x7F800000> : vector<512xf32>
    %reduce_min3A_53 = vector.multi_reduction <minimumf>, %select_n3A_51, %reduce_min3A_52 [1] : vector<512x1024xf32> to vector<512xf32>
    %broadcast_in_dim3A_54 = vector.shape_cast %reduce_min3A_53 : vector<512xf32> to vector<512x1xf32>
    %convert_element_type3A_55 = arith.fptosi %broadcast_in_dim3A_54 : vector<512x1xf32> to vector<512x1xi32>
    %add3A_56 = arith.constant 9.99999993E-9 : f32
    %add3A_57 = vector.broadcast %add3A_56 : f32 to vector<512x1xf32>
    %add3A_58 = arith.addf %broadcast_in_dim3A_46, %add3A_57 : vector<512x1xf32>
    %div3A_59 = arith.constant 1.000000e+00 : f32
    %div3A_60 = vector.broadcast %div3A_59 : f32 to vector<512x1xf32>
    %div3A_61 = arith.divf %div3A_60, %add3A_58 : vector<512x1xf32>
    %eq3A_62 = vector.broadcast %broadcast_in_dim3A_54 : vector<512x1xf32> to vector<512x1024xf32>
    %eq3A_63 = arith.cmpf oeq, %convert_element_type3A, %eq3A_62 : vector<512x1024xf32>
    %jit3A_64 = arith.constant 0x7F800000 : f32
    %broadcast_in_dim3A_65 = vector.broadcast %jit3A_64 : f32 to vector<512x1024xf32>
    %select_n3A_66 = arith.select %eq3A_63, %broadcast_in_dim3A_65, %select_n3A_43 : vector<512x1024xi1>, vector<512x1024xf32>
    %reduce_min3A_67 = arith.constant dense<0x7F800000> : vector<512xf32>
    %reduce_min3A_68 = vector.multi_reduction <minimumf>, %select_n3A_66, %reduce_min3A_67 [1] : vector<512x1024xf32> to vector<512xf32>
    %broadcast_in_dim3A_69 = vector.shape_cast %reduce_min3A_68 : vector<512xf32> to vector<512x1xf32>
    %eq3A_70 = vector.broadcast %broadcast_in_dim3A_69 : vector<512x1xf32> to vector<512x1024xf32>
    %eq3A_71 = arith.cmpf oeq, %select_n3A_66, %eq3A_70 : vector<512x1024xf32>
    %jit3A_72 = arith.constant 1.024000e+03 : f32
    %broadcast_in_dim3A_73 = vector.broadcast %jit3A_72 : f32 to vector<512x1024xf32>
    %select_n3A_74 = arith.select %eq3A_71, %convert_element_type3A, %broadcast_in_dim3A_73 : vector<512x1024xi1>, vector<512x1024xf32>
    %reduce_min3A_75 = arith.constant dense<0x7F800000> : vector<512xf32>
    %reduce_min3A_76 = vector.multi_reduction <minimumf>, %select_n3A_74, %reduce_min3A_75 [1] : vector<512x1024xf32> to vector<512xf32>
    %broadcast_in_dim3A_77 = vector.shape_cast %reduce_min3A_76 : vector<512xf32> to vector<512x1xf32>
    %convert_element_type3A_78 = arith.fptosi %broadcast_in_dim3A_77 : vector<512x1xf32> to vector<512x1xi32>
    %add3A_79 = arith.constant 9.99999993E-9 : f32
    %add3A_80 = vector.broadcast %add3A_79 : f32 to vector<512x1xf32>
    %add3A_81 = arith.addf %broadcast_in_dim3A_69, %add3A_80 : vector<512x1xf32>
    %div3A_82 = arith.constant 1.000000e+00 : f32
    %div3A_83 = vector.broadcast %div3A_82 : f32 to vector<512x1xf32>
    %div3A_84 = arith.divf %div3A_83, %add3A_81 : vector<512x1xf32>
    %concatenate3A = tpu.concatenate %div3A_38, %div3A_61, %div3A_84 in 1 : vector<512x1xf32>, vector<512x1xf32>, vector<512x1xf32> -> vector<512x3xf32>
    %reduce_sum3A = arith.constant dense<0.000000e+00> : vector<512xf32>
    %reduce_sum3A_85 = vector.multi_reduction <add>, %concatenate3A, %reduce_sum3A [1] : vector<512x3xf32> to vector<512xf32>
    %broadcast_in_dim3A_86 = vector.shape_cast %reduce_sum3A_85 : vector<512xf32> to vector<512x1xf32>
    %div3A_87 = vector.broadcast %broadcast_in_dim3A_86 : vector<512x1xf32> to vector<512x3xf32>
    %div3A_88 = arith.divf %concatenate3A, %div3A_87 : vector<512x3xf32>
    %concatenate3A_89 = tpu.concatenate %convert_element_type3A_33, %convert_element_type3A_55, %convert_element_type3A_78 in 1 : vector<512x1xi32>, vector<512x1xi32>, vector<512x1xi32> -> vector<512x3xi32>
    %mul3A_90 = arith.constant 1024 : i32
    %mul3A_91 = arith.muli %add3A_0, %mul3A_90 : i32
    %add3A_92 = vector.broadcast %mul3A_91 : i32 to vector<512x3xi32>
    %add3A_93 = arith.addi %concatenate3A_89, %add3A_92 : vector<512x3xi32>
    %swap3A = arith.constant 0 : index
    %swap3A_94 = arith.constant 0 : index
    %swap3A_95 = arith.constant 0 : index
    %swap3A_96 = vector.load %arg4[%swap3A, %swap3A_94, %swap3A_95] : memref<1x512x3xi32, #tpu.memory_space<vmem>>, vector<1x512x3xi32>
    %swap3A_97 = vector.shape_cast %swap3A_96 : vector<1x512x3xi32> to vector<512x3xi32>
    %swap3A_98 = vector.shape_cast %add3A_93 : vector<512x3xi32> to vector<1x512x3xi32>
    tpu.vector_store %arg4[%swap3A, %swap3A_94, %swap3A_95], %swap3A_98 {strides = array<i32>} : memref<1x512x3xi32, #tpu.memory_space<vmem>>, vector<1x512x3xi32>,
    %swap3A_99 = arith.constant 0 : index
    %swap3A_100 = arith.constant 0 : index
    %swap3A_101 = arith.constant 0 : index
    %swap3A_102 = vector.load %arg5[%swap3A_99, %swap3A_100, %swap3A_101] : memref<1x512x3xf32, #tpu.memory_space<vmem>>, vector<1x512x3xf32>
    %swap3A_103 = vector.shape_cast %swap3A_102 : vector<1x512x3xf32> to vector<512x3xf32>
    %swap3A_104 = vector.shape_cast %div3A_88 : vector<512x3xf32> to vector<1x512x3xf32>
    tpu.vector_store %arg5[%swap3A_99, %swap3A_100, %swap3A_101], %swap3A_104 {strides = array<i32>} : memref<1x512x3xf32, #tpu.memory_space<vmem>>, vector<1x512x3xf32>,
    return
  }
  func.func @transform_0(%arg0: i32, %arg1: i32) -> (i32, i32, i32) {
    %add3A = arith.constant 4 : i32
    %add3A_0 = arith.addi %add3A, %arg0 : i32
    %c0_i32 = arith.constant 0 : i32
    %c0_i32_1 = arith.constant 0 : i32
    return %add3A_0, %arg1, %c0_i32 : i32, i32, i32
  }
  func.func @transform_1(%arg0: i32, %arg1: i32) -> (i32, i32, i32) {
    %add3A = arith.constant 4 : i32
    %add3A_0 = arith.addi %add3A, %arg0 : i32
    %c0_i32 = arith.constant 0 : i32
    %c0_i32_1 = arith.constant 0 : i32
    %c0_i32_2 = arith.constant 0 : i32
    return %add3A_0, %c0_i32, %c0_i32_1 : i32, i32, i32
  }
  func.func @transform_2(%arg0: i32, %arg1: i32) -> (i32, i32, i32) {
    %c0_i32 = arith.constant 0 : i32
    %c0_i32_0 = arith.constant 0 : i32
    return %arg0, %arg1, %c0_i32 : i32, i32, i32
  }
  func.func @transform_3(%arg0: i32, %arg1: i32) -> (i32, i32, i32) {
    %c0_i32 = arith.constant 0 : i32
    %c0_i32_0 = arith.constant 0 : i32
    return %arg0, %arg1, %c0_i32 : i32, i32, i32
  }
}

module attributes {stable_mosaic.version = 14 : i64} {
  func.func @_topk_body(%arg0: i32, %arg1: i32, %arg2: memref<1x512x3xf32, #tpu.memory_space<vmem>>, %arg3: memref<1x3x1024xf32, #tpu.memory_space<vmem>>, %arg4: memref<1x512x3xi32, #tpu.memory_space<vmem>>, %arg5: memref<1x512x3xf32, #tpu.memory_space<vmem>>) attributes {dimension_semantics = [#tpu.dimension_semantics<arbitrary>, #tpu.dimension_semantics<arbitrary>], iteration_bounds = array<i64: 4, 8>, scalar_prefetch = 0 : i64, scratch_operands = 0 : i64, tpu.core_type = #tpu.core_type<tc>, window_params = [{transform_indices = @transform_0, window_bounds = array<i64: 1, 512, 3>}, {transform_indices = @transform_1, window_bounds = array<i64: 1, 3, 1024>}, {transform_indices = @transform_2, window_bounds = array<i64: 1, 512, 3>}, {transform_indices = @transform_3, window_bounds = array<i64: 1, 512, 3>}]} {
    %add3A = arith.constant 0 : i32
    %add3A_0 = arith.addi %arg0, %add3A : i32
    %get3A = arith.constant 0 : index
    %get3A_1 = arith.constant 0 : index
    %get3A_2 = arith.constant 0 : index
    %get3A_3 = vector.load %arg2[%get3A, %get3A_1, %get3A_2] : memref<1x512x3xf32, #tpu.memory_space<vmem>>, vector<1x512x3xf32>
    %get3A_4 = vector.shape_cast %get3A_3 : vector<1x512x3xf32> to vector<512x3xf32>
    %get3A_5 = arith.constant 0 : index
    %get3A_6 = arith.constant 0 : index
    %get3A_7 = arith.constant 0 : index
    %get3A_8 = vector.load %arg3[%get3A_5, %get3A_6, %get3A_7] : memref<1x3x1024xf32, #tpu.memory_space<vmem>>, vector<1x3x1024xf32>
    %get3A_9 = vector.shape_cast %get3A_8 : vector<1x3x1024xf32> to vector<3x1024xf32>
    %slice3A = vector.extract_strided_slice %get3A_4 {offsets = [0, 0], sizes = [512, 1], strides = [1, 1]} : vector<512x3xf32> to vector<512x1xf32>
    %slice3A_10 = vector.extract_strided_slice %get3A_9 {offsets = [0, 0], sizes = [1, 1024], strides = [1, 1]} : vector<3x1024xf32> to vector<1x1024xf32>
    %sub3A = vector.broadcast %slice3A : vector<512x1xf32> to vector<512x1024xf32>
    %sub3A_11 = vector.broadcast %slice3A_10 : vector<1x1024xf32> to vector<512x1024xf32>
    %sub3A_12 = arith.subf %sub3A, %sub3A_11 : vector<512x1024xf32>
    %mul3A = arith.mulf %sub3A_12, %sub3A_12 : vector<512x1024xf32>
    %slice3A_13 = vector.extract_strided_slice %get3A_4 {offsets = [0, 1], sizes = [512, 1], strides = [1, 1]} : vector<512x3xf32> to vector<512x1xf32>
    %slice3A_14 = vector.extract_strided_slice %get3A_9 {offsets = [1, 0], sizes = [1, 1024], strides = [1, 1]} : vector<3x1024xf32> to vector<1x1024xf32>
    %sub3A_15 = vector.broadcast %slice3A_13 : vector<512x1xf32> to vector<512x1024xf32>
    %sub3A_16 = vector.broadcast %slice3A_14 : vector<1x1024xf32> to vector<512x1024xf32>
    %sub3A_17 = arith.subf %sub3A_15, %sub3A_16 : vector<512x1024xf32>
    %mul3A_18 = arith.mulf %sub3A_17, %sub3A_17 : vector<512x1024xf32>
    %add3A_19 = arith.addf %mul3A, %mul3A_18 : vector<512x1024xf32>
    %slice3A_20 = vector.extract_strided_slice %get3A_4 {offsets = [0, 2], sizes = [512, 1], strides = [1, 1]} : vector<512x3xf32> to vector<512x1xf32>
    %slice3A_21 = vector.extract_strided_slice %get3A_9 {offsets = [2, 0], sizes = [1, 1024], strides = [1, 1]} : vector<3x1024xf32> to vector<1x1024xf32>
    %sub3A_22 = vector.broadcast %slice3A_20 : vector<512x1xf32> to vector<512x1024xf32>
    %sub3A_23 = vector.broadcast %slice3A_21 : vector<1x1024xf32> to vector<512x1024xf32>
    %sub3A_24 = arith.subf %sub3A_22, %sub3A_23 : vector<512x1024xf32>
    %mul3A_25 = arith.mulf %sub3A_24, %sub3A_24 : vector<512x1024xf32>
    %add3A_26 = arith.addf %add3A_19, %mul3A_25 : vector<512x1024xf32>
    %iota3A = tpu.iota {dimensions = array<i32: 1>} : vector<512x1024xi32>
    %convert_element_type3A = arith.sitofp %iota3A : vector<512x1024xi32> to vector<512x1024xf32>
    %reduce_min3A = arith.constant dense<0x7F800000> : vector<512xf32>
    %reduce_min3A_27 = vector.multi_reduction <minimumf>, %add3A_26, %reduce_min3A [1] : vector<512x1024xf32> to vector<512xf32>
    %broadcast_in_dim3A = vector.shape_cast %reduce_min3A_27 : vector<512xf32> to vector<512x1xf32>
    %eq3A = vector.broadcast %broadcast_in_dim3A : vector<512x1xf32> to vector<512x1024xf32>
    %eq3A_28 = arith.cmpf oeq, %add3A_26, %eq3A : vector<512x1024xf32>
    %jit3A = arith.constant 1.024000e+03 : f32
    %broadcast_in_dim3A_29 = vector.broadcast %jit3A : f32 to vector<512x1024xf32>
    %select_n3A = arith.select %eq3A_28, %convert_element_type3A, %broadcast_in_dim3A_29 : vector<512x1024xi1>, vector<512x1024xf32>
    %reduce_min3A_30 = arith.constant dense<0x7F800000> : vector<512xf32>
    %reduce_min3A_31 = vector.multi_reduction <minimumf>, %select_n3A, %reduce_min3A_30 [1] : vector<512x1024xf32> to vector<512xf32>
    %broadcast_in_dim3A_32 = vector.shape_cast %reduce_min3A_31 : vector<512xf32> to vector<512x1xf32>
    %convert_element_type3A_33 = arith.fptosi %broadcast_in_dim3A_32 : vector<512x1xf32> to vector<512x1xi32>
    %add3A_34 = arith.constant 9.99999993E-9 : f32
    %add3A_35 = vector.broadcast %add3A_34 : f32 to vector<512x1xf32>
    %add3A_36 = arith.addf %broadcast_in_dim3A, %add3A_35 : vector<512x1xf32>
    %div3A = arith.constant 1.000000e+00 : f32
    %div3A_37 = vector.broadcast %div3A : f32 to vector<512x1xf32>
    %div3A_38 = arith.divf %div3A_37, %add3A_36 : vector<512x1xf32>
    %eq3A_39 = vector.broadcast %broadcast_in_dim3A_32 : vector<512x1xf32> to vector<512x1024xf32>
    %eq3A_40 = arith.cmpf oeq, %convert_element_type3A, %eq3A_39 : vector<512x1024xf32>
    %jit3A_41 = arith.constant 0x7F800000 : f32
    %broadcast_in_dim3A_42 = vector.broadcast %jit3A_41 : f32 to vector<512x1024xf32>
    %select_n3A_43 = arith.select %eq3A_40, %broadcast_in_dim3A_42, %add3A_26 : vector<512x1024xi1>, vector<512x1024xf32>
    %reduce_min3A_44 = arith.constant dense<0x7F800000> : vector<512xf32>
    %reduce_min3A_45 = vector.multi_reduction <minimumf>, %select_n3A_43, %reduce_min3A_44 [1] : vector<512x1024xf32> to vector<512xf32>
    %broadcast_in_dim3A_46 = vector.shape_cast %reduce_min3A_45 : vector<512xf32> to vector<512x1xf32>
    %eq3A_47 = vector.broadcast %broadcast_in_dim3A_46 : vector<512x1xf32> to vector<512x1024xf32>
    %eq3A_48 = arith.cmpf oeq, %select_n3A_43, %eq3A_47 : vector<512x1024xf32>
    %jit3A_49 = arith.constant 1.024000e+03 : f32
    %broadcast_in_dim3A_50 = vector.broadcast %jit3A_49 : f32 to vector<512x1024xf32>
    %select_n3A_51 = arith.select %eq3A_48, %convert_element_type3A, %broadcast_in_dim3A_50 : vector<512x1024xi1>, vector<512x1024xf32>
    %reduce_min3A_52 = arith.constant dense<0x7F800000> : vector<512xf32>
    %reduce_min3A_53 = vector.multi_reduction <minimumf>, %select_n3A_51, %reduce_min3A_52 [1] : vector<512x1024xf32> to vector<512xf32>
    %broadcast_in_dim3A_54 = vector.shape_cast %reduce_min3A_53 : vector<512xf32> to vector<512x1xf32>
    %convert_element_type3A_55 = arith.fptosi %broadcast_in_dim3A_54 : vector<512x1xf32> to vector<512x1xi32>
    %add3A_56 = arith.constant 9.99999993E-9 : f32
    %add3A_57 = vector.broadcast %add3A_56 : f32 to vector<512x1xf32>
    %add3A_58 = arith.addf %broadcast_in_dim3A_46, %add3A_57 : vector<512x1xf32>
    %div3A_59 = arith.constant 1.000000e+00 : f32
    %div3A_60 = vector.broadcast %div3A_59 : f32 to vector<512x1xf32>
    %div3A_61 = arith.divf %div3A_60, %add3A_58 : vector<512x1xf32>
    %eq3A_62 = vector.broadcast %broadcast_in_dim3A_54 : vector<512x1xf32> to vector<512x1024xf32>
    %eq3A_63 = arith.cmpf oeq, %convert_element_type3A, %eq3A_62 : vector<512x1024xf32>
    %jit3A_64 = arith.constant 0x7F800000 : f32
    %broadcast_in_dim3A_65 = vector.broadcast %jit3A_64 : f32 to vector<512x1024xf32>
    %select_n3A_66 = arith.select %eq3A_63, %broadcast_in_dim3A_65, %select_n3A_43 : vector<512x1024xi1>, vector<512x1024xf32>
    %reduce_min3A_67 = arith.constant dense<0x7F800000> : vector<512xf32>
    %reduce_min3A_68 = vector.multi_reduction <minimumf>, %select_n3A_66, %reduce_min3A_67 [1] : vector<512x1024xf32> to vector<512xf32>
    %broadcast_in_dim3A_69 = vector.shape_cast %reduce_min3A_68 : vector<512xf32> to vector<512x1xf32>
    %eq3A_70 = vector.broadcast %broadcast_in_dim3A_69 : vector<512x1xf32> to vector<512x1024xf32>
    %eq3A_71 = arith.cmpf oeq, %select_n3A_66, %eq3A_70 : vector<512x1024xf32>
    %jit3A_72 = arith.constant 1.024000e+03 : f32
    %broadcast_in_dim3A_73 = vector.broadcast %jit3A_72 : f32 to vector<512x1024xf32>
    %select_n3A_74 = arith.select %eq3A_71, %convert_element_type3A, %broadcast_in_dim3A_73 : vector<512x1024xi1>, vector<512x1024xf32>
    %reduce_min3A_75 = arith.constant dense<0x7F800000> : vector<512xf32>
    %reduce_min3A_76 = vector.multi_reduction <minimumf>, %select_n3A_74, %reduce_min3A_75 [1] : vector<512x1024xf32> to vector<512xf32>
    %broadcast_in_dim3A_77 = vector.shape_cast %reduce_min3A_76 : vector<512xf32> to vector<512x1xf32>
    %convert_element_type3A_78 = arith.fptosi %broadcast_in_dim3A_77 : vector<512x1xf32> to vector<512x1xi32>
    %add3A_79 = arith.constant 9.99999993E-9 : f32
    %add3A_80 = vector.broadcast %add3A_79 : f32 to vector<512x1xf32>
    %add3A_81 = arith.addf %broadcast_in_dim3A_69, %add3A_80 : vector<512x1xf32>
    %div3A_82 = arith.constant 1.000000e+00 : f32
    %div3A_83 = vector.broadcast %div3A_82 : f32 to vector<512x1xf32>
    %div3A_84 = arith.divf %div3A_83, %add3A_81 : vector<512x1xf32>
    %concatenate3A = tpu.concatenate %div3A_38, %div3A_61, %div3A_84 in 1 : vector<512x1xf32>, vector<512x1xf32>, vector<512x1xf32> -> vector<512x3xf32>
    %reduce_sum3A = arith.constant dense<0.000000e+00> : vector<512xf32>
    %reduce_sum3A_85 = vector.multi_reduction <add>, %concatenate3A, %reduce_sum3A [1] : vector<512x3xf32> to vector<512xf32>
    %broadcast_in_dim3A_86 = vector.shape_cast %reduce_sum3A_85 : vector<512xf32> to vector<512x1xf32>
    %div3A_87 = vector.broadcast %broadcast_in_dim3A_86 : vector<512x1xf32> to vector<512x3xf32>
    %div3A_88 = arith.divf %concatenate3A, %div3A_87 : vector<512x3xf32>
    %concatenate3A_89 = tpu.concatenate %convert_element_type3A_33, %convert_element_type3A_55, %convert_element_type3A_78 in 1 : vector<512x1xi32>, vector<512x1xi32>, vector<512x1xi32> -> vector<512x3xi32>
    %mul3A_90 = arith.constant 1024 : i32
    %mul3A_91 = arith.muli %add3A_0, %mul3A_90 : i32
    %add3A_92 = vector.broadcast %mul3A_91 : i32 to vector<512x3xi32>
    %add3A_93 = arith.addi %concatenate3A_89, %add3A_92 : vector<512x3xi32>
    %swap3A = arith.constant 0 : index
    %swap3A_94 = arith.constant 0 : index
    %swap3A_95 = arith.constant 0 : index
    %swap3A_96 = vector.load %arg4[%swap3A, %swap3A_94, %swap3A_95] : memref<1x512x3xi32, #tpu.memory_space<vmem>>, vector<1x512x3xi32>
    %swap3A_97 = vector.shape_cast %swap3A_96 : vector<1x512x3xi32> to vector<512x3xi32>
    %swap3A_98 = vector.shape_cast %add3A_93 : vector<512x3xi32> to vector<1x512x3xi32>
    tpu.vector_store %arg4[%swap3A, %swap3A_94, %swap3A_95], %swap3A_98 {strides = array<i32>} : memref<1x512x3xi32, #tpu.memory_space<vmem>>, vector<1x512x3xi32>,
    %swap3A_99 = arith.constant 0 : index
    %swap3A_100 = arith.constant 0 : index
    %swap3A_101 = arith.constant 0 : index
    %swap3A_102 = vector.load %arg5[%swap3A_99, %swap3A_100, %swap3A_101] : memref<1x512x3xf32, #tpu.memory_space<vmem>>, vector<1x512x3xf32>
    %swap3A_103 = vector.shape_cast %swap3A_102 : vector<1x512x3xf32> to vector<512x3xf32>
    %swap3A_104 = vector.shape_cast %div3A_88 : vector<512x3xf32> to vector<1x512x3xf32>
    tpu.vector_store %arg5[%swap3A_99, %swap3A_100, %swap3A_101], %swap3A_104 {strides = array<i32>} : memref<1x512x3xf32, #tpu.memory_space<vmem>>, vector<1x512x3xf32>,
    return
  }
  func.func @transform_0(%arg0: i32, %arg1: i32) -> (i32, i32, i32) {
    %add3A = arith.constant 0 : i32
    %add3A_0 = arith.addi %add3A, %arg0 : i32
    %c0_i32 = arith.constant 0 : i32
    %c0_i32_1 = arith.constant 0 : i32
    return %add3A_0, %arg1, %c0_i32 : i32, i32, i32
  }
  func.func @transform_1(%arg0: i32, %arg1: i32) -> (i32, i32, i32) {
    %add3A = arith.constant 0 : i32
    %add3A_0 = arith.addi %add3A, %arg0 : i32
    %c0_i32 = arith.constant 0 : i32
    %c0_i32_1 = arith.constant 0 : i32
    %c0_i32_2 = arith.constant 0 : i32
    return %add3A_0, %c0_i32, %c0_i32_1 : i32, i32, i32
  }
  func.func @transform_2(%arg0: i32, %arg1: i32) -> (i32, i32, i32) {
    %c0_i32 = arith.constant 0 : i32
    %c0_i32_0 = arith.constant 0 : i32
    return %arg0, %arg1, %c0_i32 : i32, i32, i32
  }
  func.func @transform_3(%arg0: i32, %arg1: i32) -> (i32, i32, i32) {
    %c0_i32 = arith.constant 0 : i32
    %c0_i32_0 = arith.constant 0 : i32
    return %arg0, %arg1, %c0_i32 : i32, i32, i32
  }
}

module attributes {stable_mosaic.version = 14 : i64} {
  func.func @_mlp1_body(%arg0: i32, %arg1: i32, %arg2: memref<3x1x512x256xf32, #tpu.memory_space<vmem>>, %arg3: memref<1x512x3xf32, #tpu.memory_space<vmem>>, %arg4: memref<1x512x128xf32, #tpu.memory_space<vmem>>, %arg5: memref<384x256xf32, #tpu.memory_space<vmem>>, %arg6: memref<1x256xf32, #tpu.memory_space<vmem>>, %arg7: memref<1x512x256xf32, #tpu.memory_space<vmem>>, %arg8: memref<2x256xf32, #tpu.memory_space<vmem>>) attributes {dimension_semantics = [#tpu.dimension_semantics<arbitrary>, #tpu.dimension_semantics<arbitrary>], iteration_bounds = array<i64: 4, 8>, scalar_prefetch = 0 : i64, scratch_operands = 0 : i64, tpu.core_type = #tpu.core_type<tc>, window_params = [{transform_indices = @transform_0, window_bounds = array<i64: 3, 1, 512, 256>}, {transform_indices = @transform_1, window_bounds = array<i64: 1, 512, 3>}, {transform_indices = @transform_2, window_bounds = array<i64: 1, 512, 128>}, {pipeline_mode = #tpu.pipeline_mode<synchronous>, transform_indices = @transform_3, window_bounds = array<i64: 384, 256>}, {pipeline_mode = #tpu.pipeline_mode<synchronous>, transform_indices = @transform_4, window_bounds = array<i64: 1, 256>}, {transform_indices = @transform_5, window_bounds = array<i64: 1, 512, 256>}, {pipeline_mode = #tpu.pipeline_mode<synchronous>, transform_indices = @transform_6, window_bounds = array<i64: 2, 256>}]} {
    %eq3A = arith.constant 0 : i32
    %eq3A_0 = arith.cmpi eq, %arg0, %eq3A : i32
    %eq3A_1 = arith.constant 0 : i32
    %eq3A_2 = arith.cmpi eq, %arg1, %eq3A_1 : i32
    %and3A = arith.andi %eq3A_0, %eq3A_2 : i1
    %get3A = arith.constant 0 : index
    %get3A_3 = arith.constant 0 : index
    %get3A_4 = arith.constant 0 : index
    %get3A_5 = arith.constant 0 : index
    %get3A_6 = vector.load %arg2[%get3A, %get3A_3, %get3A_4, %get3A_5] : memref<3x1x512x256xf32, #tpu.memory_space<vmem>>, vector<3x1x512x256xf32>
    %get3A_7 = arith.constant 0 : index
    %get3A_8 = arith.constant 0 : index
    %get3A_9 = arith.constant 0 : index
    %get3A_10 = vector.load %arg3[%get3A_7, %get3A_8, %get3A_9] : memref<1x512x3xf32, #tpu.memory_space<vmem>>, vector<1x512x3xf32>
    %get3A_11 = vector.shape_cast %get3A_10 : vector<1x512x3xf32> to vector<512x3xf32>
    %slice3A = vector.extract_strided_slice %get3A_6 {offsets = [0, 0, 0, 0], sizes = [1, 1, 512, 256], strides = [1, 1, 1, 1]} : vector<3x1x512x256xf32> to vector<1x1x512x256xf32>
    %squeeze3A = vector.shape_cast %slice3A : vector<1x1x512x256xf32> to vector<512x256xf32>
    %slice3A_12 = vector.extract_strided_slice %get3A_11 {offsets = [0, 0], sizes = [512, 1], strides = [1, 1]} : vector<512x3xf32> to vector<512x1xf32>
    %mul3A = vector.broadcast %slice3A_12 : vector<512x1xf32> to vector<512x256xf32>
    %mul3A_13 = arith.mulf %squeeze3A, %mul3A : vector<512x256xf32>
    %slice3A_14 = vector.extract_strided_slice %get3A_6 {offsets = [1, 0, 0, 0], sizes = [1, 1, 512, 256], strides = [1, 1, 1, 1]} : vector<3x1x512x256xf32> to vector<1x1x512x256xf32>
    %squeeze3A_15 = vector.shape_cast %slice3A_14 : vector<1x1x512x256xf32> to vector<512x256xf32>
    %slice3A_16 = vector.extract_strided_slice %get3A_11 {offsets = [0, 1], sizes = [512, 1], strides = [1, 1]} : vector<512x3xf32> to vector<512x1xf32>
    %mul3A_17 = vector.broadcast %slice3A_16 : vector<512x1xf32> to vector<512x256xf32>
    %mul3A_18 = arith.mulf %squeeze3A_15, %mul3A_17 : vector<512x256xf32>
    %add3A = arith.addf %mul3A_13, %mul3A_18 : vector<512x256xf32>
    %slice3A_19 = vector.extract_strided_slice %get3A_6 {offsets = [2, 0, 0, 0], sizes = [1, 1, 512, 256], strides = [1, 1, 1, 1]} : vector<3x1x512x256xf32> to vector<1x1x512x256xf32>
    %squeeze3A_20 = vector.shape_cast %slice3A_19 : vector<1x1x512x256xf32> to vector<512x256xf32>
    %slice3A_21 = vector.extract_strided_slice %get3A_11 {offsets = [0, 2], sizes = [512, 1], strides = [1, 1]} : vector<512x3xf32> to vector<512x1xf32>
    %mul3A_22 = vector.broadcast %slice3A_21 : vector<512x1xf32> to vector<512x256xf32>
    %mul3A_23 = arith.mulf %squeeze3A_20, %mul3A_22 : vector<512x256xf32>
    %add3A_24 = arith.addf %add3A, %mul3A_23 : vector<512x256xf32>
    %get3A_25 = arith.constant 0 : index
    %get3A_26 = arith.constant 0 : index
    %get3A_27 = arith.constant 0 : index
    %get3A_28 = vector.load %arg4[%get3A_25, %get3A_26, %get3A_27] : memref<1x512x128xf32, #tpu.memory_space<vmem>>, vector<1x512x128xf32>
    %get3A_29 = vector.shape_cast %get3A_28 : vector<1x512x128xf32> to vector<512x128xf32>
    %concatenate3A = tpu.concatenate %get3A_29, %add3A_24 in 1 : vector<512x128xf32>, vector<512x256xf32> -> vector<512x384xf32>
    %get3A_30 = arith.constant 0 : index
    %get3A_31 = arith.constant 0 : index
    %get3A_32 = vector.load %arg5[%get3A_30, %get3A_31] : memref<384x256xf32, #tpu.memory_space<vmem>>, vector<384x256xf32>
    %dot_general3A = arith.constant dense<0.000000e+00> : vector<512x256xf32>
    %dot_general3A_33 = tpu.matmul %concatenate3A, %get3A_32, %dot_general3A {dimension_numbers = #tpu.dot_dimension_numbers<[1], [0], [0], [1], [0, 0, 1, 1], [], []>, transpose_lhs_hint = false} : vector<512x384xf32>, vector<384x256xf32>, vector<512x256xf32> -> vector<512x256xf32>
    %get3A_34 = arith.constant 0 : index
    %get3A_35 = arith.constant 0 : index
    %get3A_36 = vector.load %arg6[%get3A_34, %get3A_35] : memref<1x256xf32, #tpu.memory_space<vmem>>, vector<1x256xf32>
    %add3A_37 = vector.broadcast %get3A_36 : vector<1x256xf32> to vector<512x256xf32>
    %add3A_38 = arith.addf %dot_general3A_33, %add3A_37 : vector<512x256xf32>
    %swap3A = arith.constant 0 : index
    %swap3A_39 = arith.constant 0 : index
    %swap3A_40 = arith.constant 0 : index
    %swap3A_41 = vector.load %arg7[%swap3A, %swap3A_39, %swap3A_40] : memref<1x512x256xf32, #tpu.memory_space<vmem>>, vector<1x512x256xf32>
    %swap3A_42 = vector.shape_cast %swap3A_41 : vector<1x512x256xf32> to vector<512x256xf32>
    %swap3A_43 = vector.shape_cast %add3A_38 : vector<512x256xf32> to vector<1x512x256xf32>
    tpu.vector_store %arg7[%swap3A, %swap3A_39, %swap3A_40], %swap3A_43 {strides = array<i32>} : memref<1x512x256xf32, #tpu.memory_space<vmem>>, vector<1x512x256xf32>,
    %reduce_sum3A = arith.constant dense<0.000000e+00> : vector<256xf32>
    %reduce_sum3A_44 = vector.multi_reduction <add>, %add3A_38, %reduce_sum3A [0] : vector<512x256xf32> to vector<256xf32>
    %broadcast_in_dim3A = vector.shape_cast %reduce_sum3A_44 : vector<256xf32> to vector<1x256xf32>
    %mul3A_45 = arith.mulf %add3A_38, %add3A_38 : vector<512x256xf32>
    %reduce_sum3A_46 = arith.constant dense<0.000000e+00> : vector<256xf32>
    %reduce_sum3A_47 = vector.multi_reduction <add>, %mul3A_45, %reduce_sum3A_46 [0] : vector<512x256xf32> to vector<256xf32>
    %broadcast_in_dim3A_48 = vector.shape_cast %reduce_sum3A_47 : vector<256xf32> to vector<1x256xf32>
    %concatenate3A_49 = tpu.concatenate %broadcast_in_dim3A, %broadcast_in_dim3A_48 in 0 : vector<1x256xf32>, vector<1x256xf32> -> vector<2x256xf32>
    %convert_element_type3A = arith.extui %and3A : i1 to i32
    %cond3A = arith.constant 0 : i32
    %cond3A_50 = arith.cmpi ne, %convert_element_type3A, %cond3A : i32
    scf.if %cond3A_50 {
      %broadcast_in_dim3A_58 = arith.constant 0.000000e+00 : f32
      %broadcast_in_dim3A_59 = vector.broadcast %broadcast_in_dim3A_58 : f32 to vector<2x256xf32>
      %swap3A_60 = arith.constant 0 : index
      %swap3A_61 = arith.constant 0 : index
      %swap3A_62 = vector.load %arg8[%swap3A_60, %swap3A_61] : memref<2x256xf32, #tpu.memory_space<vmem>>, vector<2x256xf32>
      tpu.vector_store %arg8[%swap3A_60, %swap3A_61], %broadcast_in_dim3A_59 {strides = array<i32>} : memref<2x256xf32, #tpu.memory_space<vmem>>, vector<2x256xf32>,
    } else {
    }
    %get3A_51 = arith.constant 0 : index
    %get3A_52 = arith.constant 0 : index
    %get3A_53 = vector.load %arg8[%get3A_51, %get3A_52] : memref<2x256xf32, #tpu.memory_space<vmem>>, vector<2x256xf32>
    %add3A_54 = arith.addf %get3A_53, %concatenate3A_49 : vector<2x256xf32>
    %swap3A_55 = arith.constant 0 : index
    %swap3A_56 = arith.constant 0 : index
    %swap3A_57 = vector.load %arg8[%swap3A_55, %swap3A_56] : memref<2x256xf32, #tpu.memory_space<vmem>>, vector<2x256xf32>
    tpu.vector_store %arg8[%swap3A_55, %swap3A_56], %add3A_54 {strides = array<i32>} : memref<2x256xf32, #tpu.memory_space<vmem>>, vector<2x256xf32>,
    return
  }
  func.func @transform_0(%arg0: i32, %arg1: i32) -> (i32, i32, i32, i32) {
    %c0_i32 = arith.constant 0 : i32
    %c0_i32_0 = arith.constant 0 : i32
    %c0_i32_1 = arith.constant 0 : i32
    return %c0_i32, %arg0, %arg1, %c0_i32_0 : i32, i32, i32, i32
  }
  func.func @transform_1(%arg0: i32, %arg1: i32) -> (i32, i32, i32) {
    %c0_i32 = arith.constant 0 : i32
    %c0_i32_0 = arith.constant 0 : i32
    return %arg0, %arg1, %c0_i32 : i32, i32, i32
  }
  func.func @transform_2(%arg0: i32, %arg1: i32) -> (i32, i32, i32) {
    %add3A = arith.constant 4 : i32
    %add3A_0 = arith.addi %add3A, %arg0 : i32
    %c0_i32 = arith.constant 0 : i32
    %c0_i32_1 = arith.constant 0 : i32
    return %add3A_0, %arg1, %c0_i32 : i32, i32, i32
  }
  func.func @transform_3(%arg0: i32, %arg1: i32) -> (i32, i32) {
    %c0_i32 = arith.constant 0 : i32
    %c0_i32_0 = arith.constant 0 : i32
    %c0_i32_1 = arith.constant 0 : i32
    return %c0_i32, %c0_i32_0 : i32, i32
  }
  func.func @transform_4(%arg0: i32, %arg1: i32) -> (i32, i32) {
    %c0_i32 = arith.constant 0 : i32
    %c0_i32_0 = arith.constant 0 : i32
    %c0_i32_1 = arith.constant 0 : i32
    return %c0_i32, %c0_i32_0 : i32, i32
  }
  func.func @transform_5(%arg0: i32, %arg1: i32) -> (i32, i32, i32) {
    %c0_i32 = arith.constant 0 : i32
    %c0_i32_0 = arith.constant 0 : i32
    return %arg0, %arg1, %c0_i32 : i32, i32, i32
  }
  func.func @transform_6(%arg0: i32, %arg1: i32) -> (i32, i32) {
    %c0_i32 = arith.constant 0 : i32
    %c0_i32_0 = arith.constant 0 : i32
    %c0_i32_1 = arith.constant 0 : i32
    return %c0_i32, %c0_i32_0 : i32, i32
  }
}

module attributes {stable_mosaic.version = 14 : i64} {
  func.func @_mlp1_body(%arg0: i32, %arg1: i32, %arg2: memref<3x1x512x256xf32, #tpu.memory_space<vmem>>, %arg3: memref<1x512x3xf32, #tpu.memory_space<vmem>>, %arg4: memref<1x512x128xf32, #tpu.memory_space<vmem>>, %arg5: memref<384x256xf32, #tpu.memory_space<vmem>>, %arg6: memref<1x256xf32, #tpu.memory_space<vmem>>, %arg7: memref<1x512x256xf32, #tpu.memory_space<vmem>>, %arg8: memref<2x256xf32, #tpu.memory_space<vmem>>) attributes {dimension_semantics = [#tpu.dimension_semantics<arbitrary>, #tpu.dimension_semantics<arbitrary>], iteration_bounds = array<i64: 4, 8>, scalar_prefetch = 0 : i64, scratch_operands = 0 : i64, tpu.core_type = #tpu.core_type<tc>, window_params = [{transform_indices = @transform_0, window_bounds = array<i64: 3, 1, 512, 256>}, {transform_indices = @transform_1, window_bounds = array<i64: 1, 512, 3>}, {transform_indices = @transform_2, window_bounds = array<i64: 1, 512, 128>}, {pipeline_mode = #tpu.pipeline_mode<synchronous>, transform_indices = @transform_3, window_bounds = array<i64: 384, 256>}, {pipeline_mode = #tpu.pipeline_mode<synchronous>, transform_indices = @transform_4, window_bounds = array<i64: 1, 256>}, {transform_indices = @transform_5, window_bounds = array<i64: 1, 512, 256>}, {pipeline_mode = #tpu.pipeline_mode<synchronous>, transform_indices = @transform_6, window_bounds = array<i64: 2, 256>}]} {
    %eq3A = arith.constant 0 : i32
    %eq3A_0 = arith.cmpi eq, %arg0, %eq3A : i32
    %eq3A_1 = arith.constant 0 : i32
    %eq3A_2 = arith.cmpi eq, %arg1, %eq3A_1 : i32
    %and3A = arith.andi %eq3A_0, %eq3A_2 : i1
    %get3A = arith.constant 0 : index
    %get3A_3 = arith.constant 0 : index
    %get3A_4 = arith.constant 0 : index
    %get3A_5 = arith.constant 0 : index
    %get3A_6 = vector.load %arg2[%get3A, %get3A_3, %get3A_4, %get3A_5] : memref<3x1x512x256xf32, #tpu.memory_space<vmem>>, vector<3x1x512x256xf32>
    %get3A_7 = arith.constant 0 : index
    %get3A_8 = arith.constant 0 : index
    %get3A_9 = arith.constant 0 : index
    %get3A_10 = vector.load %arg3[%get3A_7, %get3A_8, %get3A_9] : memref<1x512x3xf32, #tpu.memory_space<vmem>>, vector<1x512x3xf32>
    %get3A_11 = vector.shape_cast %get3A_10 : vector<1x512x3xf32> to vector<512x3xf32>
    %slice3A = vector.extract_strided_slice %get3A_6 {offsets = [0, 0, 0, 0], sizes = [1, 1, 512, 256], strides = [1, 1, 1, 1]} : vector<3x1x512x256xf32> to vector<1x1x512x256xf32>
    %squeeze3A = vector.shape_cast %slice3A : vector<1x1x512x256xf32> to vector<512x256xf32>
    %slice3A_12 = vector.extract_strided_slice %get3A_11 {offsets = [0, 0], sizes = [512, 1], strides = [1, 1]} : vector<512x3xf32> to vector<512x1xf32>
    %mul3A = vector.broadcast %slice3A_12 : vector<512x1xf32> to vector<512x256xf32>
    %mul3A_13 = arith.mulf %squeeze3A, %mul3A : vector<512x256xf32>
    %slice3A_14 = vector.extract_strided_slice %get3A_6 {offsets = [1, 0, 0, 0], sizes = [1, 1, 512, 256], strides = [1, 1, 1, 1]} : vector<3x1x512x256xf32> to vector<1x1x512x256xf32>
    %squeeze3A_15 = vector.shape_cast %slice3A_14 : vector<1x1x512x256xf32> to vector<512x256xf32>
    %slice3A_16 = vector.extract_strided_slice %get3A_11 {offsets = [0, 1], sizes = [512, 1], strides = [1, 1]} : vector<512x3xf32> to vector<512x1xf32>
    %mul3A_17 = vector.broadcast %slice3A_16 : vector<512x1xf32> to vector<512x256xf32>
    %mul3A_18 = arith.mulf %squeeze3A_15, %mul3A_17 : vector<512x256xf32>
    %add3A = arith.addf %mul3A_13, %mul3A_18 : vector<512x256xf32>
    %slice3A_19 = vector.extract_strided_slice %get3A_6 {offsets = [2, 0, 0, 0], sizes = [1, 1, 512, 256], strides = [1, 1, 1, 1]} : vector<3x1x512x256xf32> to vector<1x1x512x256xf32>
    %squeeze3A_20 = vector.shape_cast %slice3A_19 : vector<1x1x512x256xf32> to vector<512x256xf32>
    %slice3A_21 = vector.extract_strided_slice %get3A_11 {offsets = [0, 2], sizes = [512, 1], strides = [1, 1]} : vector<512x3xf32> to vector<512x1xf32>
    %mul3A_22 = vector.broadcast %slice3A_21 : vector<512x1xf32> to vector<512x256xf32>
    %mul3A_23 = arith.mulf %squeeze3A_20, %mul3A_22 : vector<512x256xf32>
    %add3A_24 = arith.addf %add3A, %mul3A_23 : vector<512x256xf32>
    %get3A_25 = arith.constant 0 : index
    %get3A_26 = arith.constant 0 : index
    %get3A_27 = arith.constant 0 : index
    %get3A_28 = vector.load %arg4[%get3A_25, %get3A_26, %get3A_27] : memref<1x512x128xf32, #tpu.memory_space<vmem>>, vector<1x512x128xf32>
    %get3A_29 = vector.shape_cast %get3A_28 : vector<1x512x128xf32> to vector<512x128xf32>
    %concatenate3A = tpu.concatenate %get3A_29, %add3A_24 in 1 : vector<512x128xf32>, vector<512x256xf32> -> vector<512x384xf32>
    %get3A_30 = arith.constant 0 : index
    %get3A_31 = arith.constant 0 : index
    %get3A_32 = vector.load %arg5[%get3A_30, %get3A_31] : memref<384x256xf32, #tpu.memory_space<vmem>>, vector<384x256xf32>
    %dot_general3A = arith.constant dense<0.000000e+00> : vector<512x256xf32>
    %dot_general3A_33 = tpu.matmul %concatenate3A, %get3A_32, %dot_general3A {dimension_numbers = #tpu.dot_dimension_numbers<[1], [0], [0], [1], [0, 0, 1, 1], [], []>, transpose_lhs_hint = false} : vector<512x384xf32>, vector<384x256xf32>, vector<512x256xf32> -> vector<512x256xf32>
    %get3A_34 = arith.constant 0 : index
    %get3A_35 = arith.constant 0 : index
    %get3A_36 = vector.load %arg6[%get3A_34, %get3A_35] : memref<1x256xf32, #tpu.memory_space<vmem>>, vector<1x256xf32>
    %add3A_37 = vector.broadcast %get3A_36 : vector<1x256xf32> to vector<512x256xf32>
    %add3A_38 = arith.addf %dot_general3A_33, %add3A_37 : vector<512x256xf32>
    %swap3A = arith.constant 0 : index
    %swap3A_39 = arith.constant 0 : index
    %swap3A_40 = arith.constant 0 : index
    %swap3A_41 = vector.load %arg7[%swap3A, %swap3A_39, %swap3A_40] : memref<1x512x256xf32, #tpu.memory_space<vmem>>, vector<1x512x256xf32>
    %swap3A_42 = vector.shape_cast %swap3A_41 : vector<1x512x256xf32> to vector<512x256xf32>
    %swap3A_43 = vector.shape_cast %add3A_38 : vector<512x256xf32> to vector<1x512x256xf32>
    tpu.vector_store %arg7[%swap3A, %swap3A_39, %swap3A_40], %swap3A_43 {strides = array<i32>} : memref<1x512x256xf32, #tpu.memory_space<vmem>>, vector<1x512x256xf32>,
    %reduce_sum3A = arith.constant dense<0.000000e+00> : vector<256xf32>
    %reduce_sum3A_44 = vector.multi_reduction <add>, %add3A_38, %reduce_sum3A [0] : vector<512x256xf32> to vector<256xf32>
    %broadcast_in_dim3A = vector.shape_cast %reduce_sum3A_44 : vector<256xf32> to vector<1x256xf32>
    %mul3A_45 = arith.mulf %add3A_38, %add3A_38 : vector<512x256xf32>
    %reduce_sum3A_46 = arith.constant dense<0.000000e+00> : vector<256xf32>
    %reduce_sum3A_47 = vector.multi_reduction <add>, %mul3A_45, %reduce_sum3A_46 [0] : vector<512x256xf32> to vector<256xf32>
    %broadcast_in_dim3A_48 = vector.shape_cast %reduce_sum3A_47 : vector<256xf32> to vector<1x256xf32>
    %concatenate3A_49 = tpu.concatenate %broadcast_in_dim3A, %broadcast_in_dim3A_48 in 0 : vector<1x256xf32>, vector<1x256xf32> -> vector<2x256xf32>
    %convert_element_type3A = arith.extui %and3A : i1 to i32
    %cond3A = arith.constant 0 : i32
    %cond3A_50 = arith.cmpi ne, %convert_element_type3A, %cond3A : i32
    scf.if %cond3A_50 {
      %broadcast_in_dim3A_58 = arith.constant 0.000000e+00 : f32
      %broadcast_in_dim3A_59 = vector.broadcast %broadcast_in_dim3A_58 : f32 to vector<2x256xf32>
      %swap3A_60 = arith.constant 0 : index
      %swap3A_61 = arith.constant 0 : index
      %swap3A_62 = vector.load %arg8[%swap3A_60, %swap3A_61] : memref<2x256xf32, #tpu.memory_space<vmem>>, vector<2x256xf32>
      tpu.vector_store %arg8[%swap3A_60, %swap3A_61], %broadcast_in_dim3A_59 {strides = array<i32>} : memref<2x256xf32, #tpu.memory_space<vmem>>, vector<2x256xf32>,
    } else {
    }
    %get3A_51 = arith.constant 0 : index
    %get3A_52 = arith.constant 0 : index
    %get3A_53 = vector.load %arg8[%get3A_51, %get3A_52] : memref<2x256xf32, #tpu.memory_space<vmem>>, vector<2x256xf32>
    %add3A_54 = arith.addf %get3A_53, %concatenate3A_49 : vector<2x256xf32>
    %swap3A_55 = arith.constant 0 : index
    %swap3A_56 = arith.constant 0 : index
    %swap3A_57 = vector.load %arg8[%swap3A_55, %swap3A_56] : memref<2x256xf32, #tpu.memory_space<vmem>>, vector<2x256xf32>
    tpu.vector_store %arg8[%swap3A_55, %swap3A_56], %add3A_54 {strides = array<i32>} : memref<2x256xf32, #tpu.memory_space<vmem>>, vector<2x256xf32>,
    return
  }
  func.func @transform_0(%arg0: i32, %arg1: i32) -> (i32, i32, i32, i32) {
    %c0_i32 = arith.constant 0 : i32
    %c0_i32_0 = arith.constant 0 : i32
    %c0_i32_1 = arith.constant 0 : i32
    return %c0_i32, %arg0, %arg1, %c0_i32_0 : i32, i32, i32, i32
  }
  func.func @transform_1(%arg0: i32, %arg1: i32) -> (i32, i32, i32) {
    %c0_i32 = arith.constant 0 : i32
    %c0_i32_0 = arith.constant 0 : i32
    return %arg0, %arg1, %c0_i32 : i32, i32, i32
  }
  func.func @transform_2(%arg0: i32, %arg1: i32) -> (i32, i32, i32) {
    %add3A = arith.constant 0 : i32
    %add3A_0 = arith.addi %add3A, %arg0 : i32
    %c0_i32 = arith.constant 0 : i32
    %c0_i32_1 = arith.constant 0 : i32
    return %add3A_0, %arg1, %c0_i32 : i32, i32, i32
  }
  func.func @transform_3(%arg0: i32, %arg1: i32) -> (i32, i32) {
    %c0_i32 = arith.constant 0 : i32
    %c0_i32_0 = arith.constant 0 : i32
    %c0_i32_1 = arith.constant 0 : i32
    return %c0_i32, %c0_i32_0 : i32, i32
  }
  func.func @transform_4(%arg0: i32, %arg1: i32) -> (i32, i32) {
    %c0_i32 = arith.constant 0 : i32
    %c0_i32_0 = arith.constant 0 : i32
    %c0_i32_1 = arith.constant 0 : i32
    return %c0_i32, %c0_i32_0 : i32, i32
  }
  func.func @transform_5(%arg0: i32, %arg1: i32) -> (i32, i32, i32) {
    %c0_i32 = arith.constant 0 : i32
    %c0_i32_0 = arith.constant 0 : i32
    return %arg0, %arg1, %c0_i32 : i32, i32, i32
  }
  func.func @transform_6(%arg0: i32, %arg1: i32) -> (i32, i32) {
    %c0_i32 = arith.constant 0 : i32
    %c0_i32_0 = arith.constant 0 : i32
    %c0_i32_1 = arith.constant 0 : i32
    return %c0_i32, %c0_i32_0 : i32, i32
  }
}

module attributes {stable_mosaic.version = 14 : i64} {
  func.func @_mlp2_body(%arg0: i32, %arg1: i32, %arg2: memref<1x512x256xf32, #tpu.memory_space<vmem>>, %arg3: memref<2x256xf32, #tpu.memory_space<vmem>>, %arg4: memref<2x256xf32, #tpu.memory_space<vmem>>, %arg5: memref<2x256xf32, #tpu.memory_space<vmem>>, %arg6: memref<256x128xf32, #tpu.memory_space<vmem>>, %arg7: memref<1x128xf32, #tpu.memory_space<vmem>>, %arg8: memref<1x512x128xf32, #tpu.memory_space<vmem>>, %arg9: memref<2x128xf32, #tpu.memory_space<vmem>>) attributes {dimension_semantics = [#tpu.dimension_semantics<arbitrary>, #tpu.dimension_semantics<arbitrary>], iteration_bounds = array<i64: 4, 8>, scalar_prefetch = 0 : i64, scratch_operands = 0 : i64, tpu.core_type = #tpu.core_type<tc>, window_params = [{transform_indices = @transform_0, window_bounds = array<i64: 1, 512, 256>}, {pipeline_mode = #tpu.pipeline_mode<synchronous>, transform_indices = @transform_1, window_bounds = array<i64: 2, 256>}, {pipeline_mode = #tpu.pipeline_mode<synchronous>, transform_indices = @transform_2, window_bounds = array<i64: 2, 256>}, {pipeline_mode = #tpu.pipeline_mode<synchronous>, transform_indices = @transform_3, window_bounds = array<i64: 2, 256>}, {pipeline_mode = #tpu.pipeline_mode<synchronous>, transform_indices = @transform_4, window_bounds = array<i64: 256, 128>}, {pipeline_mode = #tpu.pipeline_mode<synchronous>, transform_indices = @transform_5, window_bounds = array<i64: 1, 128>}, {transform_indices = @transform_6, window_bounds = array<i64: 1, 512, 128>}, {pipeline_mode = #tpu.pipeline_mode<synchronous>, transform_indices = @transform_7, window_bounds = array<i64: 2, 128>}]} {
    %eq3A = arith.constant 0 : i32
    %eq3A_0 = arith.cmpi eq, %arg0, %eq3A : i32
    %eq3A_1 = arith.constant 0 : i32
    %eq3A_2 = arith.cmpi eq, %arg1, %eq3A_1 : i32
    %and3A = arith.andi %eq3A_0, %eq3A_2 : i1
    %get3A = arith.constant 0 : index
    %get3A_3 = arith.constant 0 : index
    %get3A_4 = vector.load %arg3[%get3A, %get3A_3] : memref<2x256xf32, #tpu.memory_space<vmem>>, vector<2x256xf32>
    %get3A_5 = arith.constant 0 : index
    %get3A_6 = arith.constant 0 : index
    %get3A_7 = vector.load %arg4[%get3A_5, %get3A_6] : memref<2x256xf32, #tpu.memory_space<vmem>>, vector<2x256xf32>
    %get3A_8 = arith.constant 0 : index
    %get3A_9 = arith.constant 0 : index
    %get3A_10 = vector.load %arg5[%get3A_8, %get3A_9] : memref<2x256xf32, #tpu.memory_space<vmem>>, vector<2x256xf32>
    %add3A = arith.addf %get3A_4, %get3A_7 : vector<2x256xf32>
    %slice3A = vector.extract_strided_slice %add3A {offsets = [0, 0], sizes = [1, 256], strides = [1, 1]} : vector<2x256xf32> to vector<1x256xf32>
    %div3A = arith.constant 3.276800e+04 : f32
    %div3A_11 = vector.broadcast %div3A : f32 to vector<1x256xf32>
    %div3A_12 = arith.divf %slice3A, %div3A_11 : vector<1x256xf32>
    %slice3A_13 = vector.extract_strided_slice %add3A {offsets = [1, 0], sizes = [1, 256], strides = [1, 1]} : vector<2x256xf32> to vector<1x256xf32>
    %div3A_14 = arith.constant 3.276800e+04 : f32
    %div3A_15 = vector.broadcast %div3A_14 : f32 to vector<1x256xf32>
    %div3A_16 = arith.divf %slice3A_13, %div3A_15 : vector<1x256xf32>
    %mul3A = arith.mulf %div3A_12, %div3A_12 : vector<1x256xf32>
    %sub3A = arith.subf %div3A_16, %mul3A : vector<1x256xf32>
    %slice3A_17 = vector.extract_strided_slice %get3A_10 {offsets = [0, 0], sizes = [1, 256], strides = [1, 1]} : vector<2x256xf32> to vector<1x256xf32>
    %add3A_18 = arith.constant 9.99999974E-6 : f32
    %add3A_19 = vector.broadcast %add3A_18 : f32 to vector<1x256xf32>
    %add3A_20 = arith.addf %sub3A, %add3A_19 : vector<1x256xf32>
    %rsqrt3A = math.rsqrt %add3A_20 : vector<1x256xf32>
    %mul3A_21 = arith.mulf %slice3A_17, %rsqrt3A : vector<1x256xf32>
    %slice3A_22 = vector.extract_strided_slice %get3A_10 {offsets = [1, 0], sizes = [1, 256], strides = [1, 1]} : vector<2x256xf32> to vector<1x256xf32>
    %mul3A_23 = arith.mulf %div3A_12, %mul3A_21 : vector<1x256xf32>
    %sub3A_24 = arith.subf %slice3A_22, %mul3A_23 : vector<1x256xf32>
    %get3A_25 = arith.constant 0 : index
    %get3A_26 = arith.constant 0 : index
    %get3A_27 = arith.constant 0 : index
    %get3A_28 = vector.load %arg2[%get3A_25, %get3A_26, %get3A_27] : memref<1x512x256xf32, #tpu.memory_space<vmem>>, vector<1x512x256xf32>
    %get3A_29 = vector.shape_cast %get3A_28 : vector<1x512x256xf32> to vector<512x256xf32>
    %mul3A_30 = vector.broadcast %mul3A_21 : vector<1x256xf32> to vector<512x256xf32>
    %mul3A_31 = arith.mulf %get3A_29, %mul3A_30 : vector<512x256xf32>
    %add3A_32 = vector.broadcast %sub3A_24 : vector<1x256xf32> to vector<512x256xf32>
    %add3A_33 = arith.addf %mul3A_31, %add3A_32 : vector<512x256xf32>
    %max3A = arith.constant 0.000000e+00 : f32
    %max3A_34 = vector.broadcast %max3A : f32 to vector<512x256xf32>
    %max3A_35 = arith.maximumf %add3A_33, %max3A_34 : vector<512x256xf32>
    %get3A_36 = arith.constant 0 : index
    %get3A_37 = arith.constant 0 : index
    %get3A_38 = vector.load %arg6[%get3A_36, %get3A_37] : memref<256x128xf32, #tpu.memory_space<vmem>>, vector<256x128xf32>
    %dot_general3A = arith.constant dense<0.000000e+00> : vector<512x128xf32>
    %dot_general3A_39 = tpu.matmul %max3A_35, %get3A_38, %dot_general3A {dimension_numbers = #tpu.dot_dimension_numbers<[1], [0], [0], [1], [0, 0, 1, 1], [], []>, transpose_lhs_hint = false} : vector<512x256xf32>, vector<256x128xf32>, vector<512x128xf32> -> vector<512x128xf32>
    %get3A_40 = arith.constant 0 : index
    %get3A_41 = arith.constant 0 : index
    %get3A_42 = vector.load %arg7[%get3A_40, %get3A_41] : memref<1x128xf32, #tpu.memory_space<vmem>>, vector<1x128xf32>
    %add3A_43 = vector.broadcast %get3A_42 : vector<1x128xf32> to vector<512x128xf32>
    %add3A_44 = arith.addf %dot_general3A_39, %add3A_43 : vector<512x128xf32>
    %swap3A = arith.constant 0 : index
    %swap3A_45 = arith.constant 0 : index
    %swap3A_46 = arith.constant 0 : index
    %swap3A_47 = vector.load %arg8[%swap3A, %swap3A_45, %swap3A_46] : memref<1x512x128xf32, #tpu.memory_space<vmem>>, vector<1x512x128xf32>
    %swap3A_48 = vector.shape_cast %swap3A_47 : vector<1x512x128xf32> to vector<512x128xf32>
    %swap3A_49 = vector.shape_cast %add3A_44 : vector<512x128xf32> to vector<1x512x128xf32>
    tpu.vector_store %arg8[%swap3A, %swap3A_45, %swap3A_46], %swap3A_49 {strides = array<i32>} : memref<1x512x128xf32, #tpu.memory_space<vmem>>, vector<1x512x128xf32>,
    %reduce_sum3A = arith.constant dense<0.000000e+00> : vector<128xf32>
    %reduce_sum3A_50 = vector.multi_reduction <add>, %add3A_44, %reduce_sum3A [0] : vector<512x128xf32> to vector<128xf32>
    %broadcast_in_dim3A = vector.shape_cast %reduce_sum3A_50 : vector<128xf32> to vector<1x128xf32>
    %mul3A_51 = arith.mulf %add3A_44, %add3A_44 : vector<512x128xf32>
    %reduce_sum3A_52 = arith.constant dense<0.000000e+00> : vector<128xf32>
    %reduce_sum3A_53 = vector.multi_reduction <add>, %mul3A_51, %reduce_sum3A_52 [0] : vector<512x128xf32> to vector<128xf32>
    %broadcast_in_dim3A_54 = vector.shape_cast %reduce_sum3A_53 : vector<128xf32> to vector<1x128xf32>
    %concatenate3A = tpu.concatenate %broadcast_in_dim3A, %broadcast_in_dim3A_54 in 0 : vector<1x128xf32>, vector<1x128xf32> -> vector<2x128xf32>
    %convert_element_type3A = arith.extui %and3A : i1 to i32
    %cond3A = arith.constant 0 : i32
    %cond3A_55 = arith.cmpi ne, %convert_element_type3A, %cond3A : i32
    scf.if %cond3A_55 {
      %broadcast_in_dim3A_63 = arith.constant 0.000000e+00 : f32
      %broadcast_in_dim3A_64 = vector.broadcast %broadcast_in_dim3A_63 : f32 to vector<2x128xf32>
      %swap3A_65 = arith.constant 0 : index
      %swap3A_66 = arith.constant 0 : index
      %swap3A_67 = vector.load %arg9[%swap3A_65, %swap3A_66] : memref<2x128xf32, #tpu.memory_space<vmem>>, vector<2x128xf32>
      tpu.vector_store %arg9[%swap3A_65, %swap3A_66], %broadcast_in_dim3A_64 {strides = array<i32>} : memref<2x128xf32, #tpu.memory_space<vmem>>, vector<2x128xf32>,
    } else {
    }
    %get3A_56 = arith.constant 0 : index
    %get3A_57 = arith.constant 0 : index
    %get3A_58 = vector.load %arg9[%get3A_56, %get3A_57] : memref<2x128xf32, #tpu.memory_space<vmem>>, vector<2x128xf32>
    %add3A_59 = arith.addf %get3A_58, %concatenate3A : vector<2x128xf32>
    %swap3A_60 = arith.constant 0 : index
    %swap3A_61 = arith.constant 0 : index
    %swap3A_62 = vector.load %arg9[%swap3A_60, %swap3A_61] : memref<2x128xf32, #tpu.memory_space<vmem>>, vector<2x128xf32>
    tpu.vector_store %arg9[%swap3A_60, %swap3A_61], %add3A_59 {strides = array<i32>} : memref<2x128xf32, #tpu.memory_space<vmem>>, vector<2x128xf32>,
    return
  }
  func.func @transform_0(%arg0: i32, %arg1: i32) -> (i32, i32, i32) {
    %c0_i32 = arith.constant 0 : i32
    %c0_i32_0 = arith.constant 0 : i32
    return %arg0, %arg1, %c0_i32 : i32, i32, i32
  }
  func.func @transform_1(%arg0: i32, %arg1: i32) -> (i32, i32) {
    %c0_i32 = arith.constant 0 : i32
    %c0_i32_0 = arith.constant 0 : i32
    %c0_i32_1 = arith.constant 0 : i32
    return %c0_i32, %c0_i32_0 : i32, i32
  }
  func.func @transform_2(%arg0: i32, %arg1: i32) -> (i32, i32) {
    %c0_i32 = arith.constant 0 : i32
    %c0_i32_0 = arith.constant 0 : i32
    %c0_i32_1 = arith.constant 0 : i32
    return %c0_i32, %c0_i32_0 : i32, i32
  }
  func.func @transform_3(%arg0: i32, %arg1: i32) -> (i32, i32) {
    %c0_i32 = arith.constant 0 : i32
    %c0_i32_0 = arith.constant 0 : i32
    %c0_i32_1 = arith.constant 0 : i32
    return %c0_i32, %c0_i32_0 : i32, i32
  }
  func.func @transform_4(%arg0: i32, %arg1: i32) -> (i32, i32) {
    %c0_i32 = arith.constant 0 : i32
    %c0_i32_0 = arith.constant 0 : i32
    %c0_i32_1 = arith.constant 0 : i32
    return %c0_i32, %c0_i32_0 : i32, i32
  }
  func.func @transform_5(%arg0: i32, %arg1: i32) -> (i32, i32) {
    %c0_i32 = arith.constant 0 : i32
    %c0_i32_0 = arith.constant 0 : i32
    %c0_i32_1 = arith.constant 0 : i32
    return %c0_i32, %c0_i32_0 : i32, i32
  }
  func.func @transform_6(%arg0: i32, %arg1: i32) -> (i32, i32, i32) {
    %c0_i32 = arith.constant 0 : i32
    %c0_i32_0 = arith.constant 0 : i32
    return %arg0, %arg1, %c0_i32 : i32, i32, i32
  }
  func.func @transform_7(%arg0: i32, %arg1: i32) -> (i32, i32) {
    %c0_i32 = arith.constant 0 : i32
    %c0_i32_0 = arith.constant 0 : i32
    %c0_i32_1 = arith.constant 0 : i32
    return %c0_i32, %c0_i32_0 : i32, i32
  }
}

module attributes {stable_mosaic.version = 14 : i64} {
  func.func @_bn2_body(%arg0: i32, %arg1: i32, %arg2: memref<1x512x128xf32, #tpu.memory_space<vmem>>, %arg3: memref<2x128xf32, #tpu.memory_space<vmem>>, %arg4: memref<2x128xf32, #tpu.memory_space<vmem>>, %arg5: memref<2x128xf32, #tpu.memory_space<vmem>>, %arg6: memref<1x128x512xf32, #tpu.memory_space<vmem>>) attributes {dimension_semantics = [#tpu.dimension_semantics<arbitrary>, #tpu.dimension_semantics<arbitrary>], iteration_bounds = array<i64: 4, 8>, scalar_prefetch = 0 : i64, scratch_operands = 0 : i64, tpu.core_type = #tpu.core_type<tc>, window_params = [{transform_indices = @transform_0, window_bounds = array<i64: 1, 512, 128>}, {pipeline_mode = #tpu.pipeline_mode<synchronous>, transform_indices = @transform_1, window_bounds = array<i64: 2, 128>}, {pipeline_mode = #tpu.pipeline_mode<synchronous>, transform_indices = @transform_2, window_bounds = array<i64: 2, 128>}, {pipeline_mode = #tpu.pipeline_mode<synchronous>, transform_indices = @transform_3, window_bounds = array<i64: 2, 128>}, {transform_indices = @transform_4, window_bounds = array<i64: 1, 128, 512>}]} {
    %get3A = arith.constant 0 : index
    %get3A_0 = arith.constant 0 : index
    %get3A_1 = vector.load %arg3[%get3A, %get3A_0] : memref<2x128xf32, #tpu.memory_space<vmem>>, vector<2x128xf32>
    %get3A_2 = arith.constant 0 : index
    %get3A_3 = arith.constant 0 : index
    %get3A_4 = vector.load %arg4[%get3A_2, %get3A_3] : memref<2x128xf32, #tpu.memory_space<vmem>>, vector<2x128xf32>
    %get3A_5 = arith.constant 0 : index
    %get3A_6 = arith.constant 0 : index
    %get3A_7 = vector.load %arg5[%get3A_5, %get3A_6] : memref<2x128xf32, #tpu.memory_space<vmem>>, vector<2x128xf32>
    %add3A = arith.addf %get3A_1, %get3A_4 : vector<2x128xf32>
    %slice3A = vector.extract_strided_slice %add3A {offsets = [0, 0], sizes = [1, 128], strides = [1, 1]} : vector<2x128xf32> to vector<1x128xf32>
    %div3A = arith.constant 3.276800e+04 : f32
    %div3A_8 = vector.broadcast %div3A : f32 to vector<1x128xf32>
    %div3A_9 = arith.divf %slice3A, %div3A_8 : vector<1x128xf32>
    %slice3A_10 = vector.extract_strided_slice %add3A {offsets = [1, 0], sizes = [1, 128], strides = [1, 1]} : vector<2x128xf32> to vector<1x128xf32>
    %div3A_11 = arith.constant 3.276800e+04 : f32
    %div3A_12 = vector.broadcast %div3A_11 : f32 to vector<1x128xf32>
    %div3A_13 = arith.divf %slice3A_10, %div3A_12 : vector<1x128xf32>
    %mul3A = arith.mulf %div3A_9, %div3A_9 : vector<1x128xf32>
    %sub3A = arith.subf %div3A_13, %mul3A : vector<1x128xf32>
    %slice3A_14 = vector.extract_strided_slice %get3A_7 {offsets = [0, 0], sizes = [1, 128], strides = [1, 1]} : vector<2x128xf32> to vector<1x128xf32>
    %add3A_15 = arith.constant 9.99999974E-6 : f32
    %add3A_16 = vector.broadcast %add3A_15 : f32 to vector<1x128xf32>
    %add3A_17 = arith.addf %sub3A, %add3A_16 : vector<1x128xf32>
    %rsqrt3A = math.rsqrt %add3A_17 : vector<1x128xf32>
    %mul3A_18 = arith.mulf %slice3A_14, %rsqrt3A : vector<1x128xf32>
    %slice3A_19 = vector.extract_strided_slice %get3A_7 {offsets = [1, 0], sizes = [1, 128], strides = [1, 1]} : vector<2x128xf32> to vector<1x128xf32>
    %mul3A_20 = arith.mulf %div3A_9, %mul3A_18 : vector<1x128xf32>
    %sub3A_21 = arith.subf %slice3A_19, %mul3A_20 : vector<1x128xf32>
    %get3A_22 = arith.constant 0 : index
    %get3A_23 = arith.constant 0 : index
    %get3A_24 = arith.constant 0 : index
    %get3A_25 = vector.load %arg2[%get3A_22, %get3A_23, %get3A_24] : memref<1x512x128xf32, #tpu.memory_space<vmem>>, vector<1x512x128xf32>
    %get3A_26 = vector.shape_cast %get3A_25 : vector<1x512x128xf32> to vector<512x128xf32>
    %mul3A_27 = vector.broadcast %mul3A_18 : vector<1x128xf32> to vector<512x128xf32>
    %mul3A_28 = arith.mulf %get3A_26, %mul3A_27 : vector<512x128xf32>
    %add3A_29 = vector.broadcast %sub3A_21 : vector<1x128xf32> to vector<512x128xf32>
    %add3A_30 = arith.addf %mul3A_28, %add3A_29 : vector<512x128xf32>
    %max3A = arith.constant 0.000000e+00 : f32
    %max3A_31 = vector.broadcast %max3A : f32 to vector<512x128xf32>
    %max3A_32 = arith.maximumf %add3A_30, %max3A_31 : vector<512x128xf32>
    %transpose3A = tpu.transpose %max3A_32, [1, 0] : vector<512x128xf32> -> vector<128x512xf32>
    %swap3A = arith.constant 0 : index
    %swap3A_33 = arith.constant 0 : index
    %swap3A_34 = arith.constant 0 : index
    %swap3A_35 = vector.load %arg6[%swap3A, %swap3A_33, %swap3A_34] : memref<1x128x512xf32, #tpu.memory_space<vmem>>, vector<1x128x512xf32>
    %swap3A_36 = vector.shape_cast %swap3A_35 : vector<1x128x512xf32> to vector<128x512xf32>
    %swap3A_37 = vector.shape_cast %transpose3A : vector<128x512xf32> to vector<1x128x512xf32>
    tpu.vector_store %arg6[%swap3A, %swap3A_33, %swap3A_34], %swap3A_37 {strides = array<i32>} : memref<1x128x512xf32, #tpu.memory_space<vmem>>, vector<1x128x512xf32>,
    return
  }
  func.func @transform_0(%arg0: i32, %arg1: i32) -> (i32, i32, i32) {
    %c0_i32 = arith.constant 0 : i32
    %c0_i32_0 = arith.constant 0 : i32
    return %arg0, %arg1, %c0_i32 : i32, i32, i32
  }
  func.func @transform_1(%arg0: i32, %arg1: i32) -> (i32, i32) {
    %c0_i32 = arith.constant 0 : i32
    %c0_i32_0 = arith.constant 0 : i32
    %c0_i32_1 = arith.constant 0 : i32
    return %c0_i32, %c0_i32_0 : i32, i32
  }
  func.func @transform_2(%arg0: i32, %arg1: i32) -> (i32, i32) {
    %c0_i32 = arith.constant 0 : i32
    %c0_i32_0 = arith.constant 0 : i32
    %c0_i32_1 = arith.constant 0 : i32
    return %c0_i32, %c0_i32_0 : i32, i32
  }
  func.func @transform_3(%arg0: i32, %arg1: i32) -> (i32, i32) {
    %c0_i32 = arith.constant 0 : i32
    %c0_i32_0 = arith.constant 0 : i32
    %c0_i32_1 = arith.constant 0 : i32
    return %c0_i32, %c0_i32_0 : i32, i32
  }
  func.func @transform_4(%arg0: i32, %arg1: i32) -> (i32, i32, i32) {
    %c0_i32 = arith.constant 0 : i32
    %c0_i32_0 = arith.constant 0 : i32
    return %arg0, %c0_i32, %arg1 : i32, i32, i32
  }
}

</mosaic_0001>

<sc_bundles>
// kernel: kernel.12.cloned.1.call-start
scs
__scs_entry_jumppad:
0x0: {  	(pc) =	sbr.rel $0x88, $3  }
0x1: {  	(tag) =	ssettag $0x0;
	lr =	simm.s32 $0x1  }
0x2: {  	[smem:$0x3F95] =	sst lr;
	_ =	strace $0xD0000000  }
0x3: {  	_ = 	snop  }
0x4: {  	_ = 	snop  }
0x5: {  	_ = 	snop  }
0x6: {  	_ = 	snop  }
0x7: {  	_ = 	snop  }
__scs_overlays_trampoline_lowered:
0x8: {  	[smem:$0x3FA4] =	sst s0  }
0x9: {  	[smem:$0x3FA5] =	sst s1  }
0xa: {  	[smem:$0x3FA6] =	sst s2  }
0xb: {  	[smem:$0x3FA7] =	sst s3  }
0xc: {  	[smem:$0x3FA8] =	sst s4  }
0xd: {  	[smem:$0x3FA9] =	sst s5  }
0xe: {  	[smem:$0x3FAA] =	sst s6  }
0xf: {  	[smem:$0x3FAB] =	sst s7  }
0x10: {  	[smem:$0x3FAC] =	sst s8  }
0x11: {  	[smem:$0x3FAD] =	sst s9;
	s0 =	simm.s32 @!p0 $0x0  }
0x12: {  	s1 =	sld [smem:$0x3F93];
	s0 =	simm.s32 @p0 $0x1  }
0x13: {  	[smem:$0x3FAE] =	sst s0;
	s0 =	simm.s32 @!p1 $0x0  }
0x14: {  	s2 =	sld [smem:$0x3F92];
	s0 =	simm.s32 @p1 $0x1  }
0x15: {  	[smem:$0x3FAF] =	sst s0;
	s0 =	simm.s32 @!p2 $0x0  }
0x16: {  	s3 =	sld [smem:$0x3FDB];
	s0 =	simm.s32 @p2 $0x1  }
0x17: {  	s4 =	simm.s32 $0x1BF5;
	[smem:$0x3FB1] =	sst s0  }
0x18: {  	s0 =	sld [smem:$0x3F94];
	_ =	swait.ge [sflag:s4], $0x0  }
0x19: {  	s7 =	sld [smem:$0x3F95]  }
0x1a: {  	s8 =	sadd.s32 $0xFFFFE003, lr  }
0x1b: {  	s9 =	sadd.s32 $0xFFFFFEF7, lr;
	s5 =	simm.s32 $0xFFFFFFFF;
	p2 =	slt.u32 s8, $0xFFFFF086  }
0x1c: {  	p1 =	slt.u32 s9, $0xF7A;
	s5 =	simm.s32 @!p2 $0x0  }
0x1d: {  	s5 =	simm.s32 @p1 $0x1;
	p0 =	seq.s32 s7, s2  }
0x1e: {  	s7 =	smul.u32 @!p0 $0xF7A, s2;
	p2 =	seq.s32 @!p0 s5, $0x0  }
0x1f: {  	s9 =	smul.u32 $0xF7A, s1;
	s8 =	simm.s32 @!p0 $0x1BF5;
	p2 =	por !p2, p0  }
0x20: {  	[sflag:s8] =	ssyncset.s32 @!p0 $0xFFFFF086;
	s6 =	sadd.s32 @!p0 s3, s7;
	s7 =	simm.s32 @!p0 $0x108  }
0x21: {  	s3 =	sadd.s32 s3, s9;
	s6 =	sadd.s32 @!p0 $0x88, s6;
	s7 =	simm.s32 @p2 $0x1082  }
0x22: {  	[simem:s7], [sflag:s8] =	dma.local @!p0 [hbm:s6], $0xF7A  }
0x23: {  	s9 =	sor.u32 $0xD0000000, s2;
	s6 =	simm.s32 $0x108;
	_ =	swait.ge @!p0 [sflag:s8], $0x0  }
0x24: {  	s3 =	sadd.s32 $0x88, s3;
	s6 =	simm.s32 @!p1 $0x1082;
	[sflag:s4] =	ssyncset.s32 $0xFFFFF086  }
0x25: {  	[simem:s6], [sflag:s4] =	dma.local [hbm:s3], $0xF7A  }
0x26: {  	[smem:$0x3F95] =	sst s1;
	(tag) =	ssettag s2;
	_ =	strace s9  }
0x27: {  	s1 =	sld [smem:$0x3FA5]  }
0x28: {  	s2 =	sld [smem:$0x3FA6]  }
0x29: {  	s4 =	sld [smem:$0x3FA8]  }
0x2a: {  	p0 =	seq.s32 s5, $0x0;
	s5 =	sld [smem:$0x3FA9]  }
0x2b: {  	s6 =	sld [smem:$0x3FAA]  }
0x2c: {  	s7 =	sld [smem:$0x3FAB]  }
0x2d: {  	s3 =	simm.s32 $0x108;
	s8 =	sld [smem:$0x3FAC]  }
0x2e: {  	s3 =	simm.s32 @!p0 $0x1082;
	s9 =	sld [smem:$0x3FAD]  }
0x2f: {  	lr =	sadd.s32 s0, s3;
	s0 =	sld [smem:$0x3FA4]  }
0x30: {  	s3 =	sld [smem:$0x3FA7]  }
0x31: {  	[smem:$0x3FB0] =	sst s10  }
0x32: {  	s10 =	sld [smem:$0x3FAE];
	_ =	sdelay $0x3  }
0x33: {  	p0 =	seq.s32 s10, $0x1;
	s10 =	sld [smem:$0x3FB0];
	_ =	sdelay $0x3  }
0x34: {  	[smem:$0x3FB0] =	sst s10  }
0x35: {  	s10 =	sld [smem:$0x3FAF];
	_ =	sdelay $0x3  }
0x36: {  	p1 =	seq.s32 s10, $0x1;
	s10 =	sld [smem:$0x3FB0];
	_ =	sdelay $0x3  }
0x37: {  	[smem:$0x3FB0] =	sst s10  }
0x38: {  	s10 =	sld [smem:$0x3FB1]  }
0x39: {  	_ = 	snop;
	(pc) =	sbr.ind lr, $3  }
0x3a: {  	_ = 	snop  }
0x3b: {  	_ = 	snop  }
0x3c: {  	p2 =	seq.s32 s10, $0x1;
	s10 =	sld [smem:$0x3FB0]  }
0x3d: {  	_ =	shalt  }
0x3e: {  	_ =	shalt  }
0x3f: {  	_ =	shalt  }
0x40: {  	_ =	shalt  }
0x41: {  	_ =	shalt  }
0x42: {  	_ =	shalt  }
0x43: {  	_ =	shalt  }
0x44: {  	_ =	shalt  }
0x45: {  	_ =	shalt  }
0x46: {  	_ =	shalt  }
0x47: {  	_ =	shalt  }
0x48: {  	_ =	shalt  }
0x49: {  	_ =	shalt  }
0x4a: {  	_ =	shalt  }
0x4b: {  	_ =	shalt  }
0x4c: {  	_ =	shalt  }
0x4d: {  	_ =	shalt  }
0x4e: {  	_ =	shalt  }
0x4f: {  	_ =	shalt  }
0x50: {  	_ =	shalt  }
0x51: {  	_ =	shalt  }
0x52: {  	_ =	shalt  }
0x53: {  	_ =	shalt  }
0x54: {  	_ =	shalt  }
0x55: {  	_ =	shalt  }
0x56: {  	_ =	shalt  }
0x57: {  	_ =	shalt  }
0x58: {  	_ =	shalt  }
0x59: {  	_ =	shalt  }
0x5a: {  	_ =	shalt  }
0x5b: {  	_ =	shalt  }
0x5c: {  	_ =	shalt  }
0x5d: {  	_ =	shalt  }
0x5e: {  	_ =	shalt  }
0x5f: {  	_ =	shalt  }
0x60: {  	_ =	shalt  }
0x61: {  	_ =	shalt  }
0x62: {  	_ =	shalt  }
0x63: {  	_ =	shalt  }
0x64: {  	_ =	shalt  }
0x65: {  	_ =	shalt  }
0x66: {  	_ =	shalt  }
0x67: {  	_ =	shalt  }
0x68: {  	_ =	shalt  }
0x69: {  	_ =	shalt  }
0x6a: {  	_ =	shalt  }
0x6b: {  	_ =	shalt  }
0x6c: {  	_ =	shalt  }
0x6d: {  	_ =	shalt  }
0x6e: {  	_ =	shalt  }
0x6f: {  	_ =	shalt  }
0x70: {  	_ =	shalt  }
0x71: {  	_ =	shalt  }
0x72: {  	_ =	shalt  }
0x73: {  	_ =	shalt  }
0x74: {  	_ =	shalt  }
0x75: {  	_ =	shalt  }
0x76: {  	_ =	shalt  }
0x77: {  	_ =	shalt  }
0x78: {  	_ =	shalt  }
0x79: {  	_ =	shalt  }
0x7a: {  	_ =	shalt  }
0x7b: {  	_ =	shalt  }
0x7c: {  	_ =	shalt  }
0x7d: {  	_ =	shalt  }
0x7e: {  	_ =	shalt  }
0x7f: {  	_ =	shalt  }
0x80: {  	_ =	shalt  }
0x81: {  	_ =	shalt  }
0x82: {  	_ =	shalt  }
0x83: {  	_ =	shalt  }
0x84: {  	_ =	shalt  }
0x85: {  	_ =	shalt  }
0x86: {  	_ =	shalt  }
0x87: {  	_ =	shalt  }
.Lfunc_end0:
.L_simem_size_0:
called_computation_lowered:
.L_overlay_start_0:
0x88: {  	s2 =	sld [smem:$0x3FD9]  }
0x89: {  	s3 =	sld [smem:$0x3FFE];
	_ =	sdelay $0x1  }
0x8a: {  	s1 =	srdreg.scid  }
0x8b: {  	s0 =	sand.u32 $0x1, s1  }
0x8c: {  	s17 =	sshll.u32 s0, $0xA;
	s2 =	sadd.s32 s3, s2  }
0x8d: {  	s2 =	sadd.s32 s2, s17  }
0x8e: {  	[smem:$0x3FBC] =	sst s2  }
0x8f: {  	_ = 	snop  }
0x90: {  	(tm) =	ssettm $0x1  }
0x91: {  	s18 =	sld [smem:$0x3FFB];
	_ =	sdelay $0x3  }
0x92: {  	_ =	strace s18  }
0x93: {  	s2 =	sld [smem:$0x3FFC];
	_ =	sdelay $0x3  }
0x94: {  	_ =	strace s2  }
0x95: {  	s2 =	sld [smem:$0x3FFD];
	_ =	sdelay $0x3  }
0x96: {  	_ =	strace s2  }
0x97: {  	_ =	strace $0x8FFFFFFF  }
0x98: {  	s19 =	sld [smem:$0x3FDB];
	_ =	sdelay $0x1  }
0x99: {  	s20 =	simm.s32 $_scs_section_size  }
0x9a: {  	s4 =	simm.s32 $_size__tile_overlayer_lowered;
	s5 =	simm.s32 $_tile_overlayer_lowered  }
0x9b: {  	s6 =	simm.s32 $0x1BFF;
	s21 =	sshll.u32 s5, $0x1;
	s3 =	sadd.s32 s20, s19  }
0x9c: {  	s22 =	simm.s32 $0x0;
	s4 =	sshll.u32 s4, $0x1;
	s5 =	sadd.s32 s21, s3  }
0x9d: {  	[timem:s22], [sflag:s6] =	dma.local [hbm:s5], s4  }
0x9e: {  	_ =	swait.ge [sflag:s6], s4  }
0x9f: {  	s4 =	ssub.s32 $0x0, s4;
	[sflag:s6] =	ssyncset.done $0x0  }
0xa0: {  	[sflag:s6] =	ssyncadd.s32 s4;
	_ =	sdelay $0x1  }
0xa1: {  	s23 =	simm.s32 $0x1B8B  }
0xa2: {  	_ =	swait.ge [sflag:s23], $0x1  }
0xa3: {  	[sflag:s23] =	ssyncset.done $0x0  }
0xa4: {  	[sflag:s23] =	ssyncadd.s32 $0xFFFFFFFF  }
0xa5: {  	s4 =	sld [smem:$0x0]  }
0xa6: {  	s5 =	sand.u32 $0xFFFFFFFE, s1  }
0xa7: {  	p0 =	sne.s32 s1, s5  }
0xa8: {  	s5 =	sshll.u32 @p0 s5, $0xE  }
0xa9: {  	s5 =	sadd.s32 @p0 $0x11B8D, s5;
	s6 =	sshll.u32 @p0 s4, $0x11  }
0xaa: {  	s5 =	sor.u32 @p0 s6, s5  }
0xab: {  	[sflag:s5] =	ssyncadd.remote.s32 @p0 $0x1;
	_ =	sdelay $0x1  }
0xac: {  	s5 =	simm.s32 @p0 $0x1B8D  }
0xad: {  	_ =	swait.eq @p0 [sflag:s5], $0x1  }
0xae: {  	[sflag:s5] =	ssyncadd.s32 @p0 $0xFFFFFFFF  }
0xaf: {  	s6 =	sshll.u32 @!p0 s1, $0xE  }
0xb0: {  	s6 =	sor.u32 @!p0 $0x4000, s6;
	s5 =	simm.s32 @!p0 $0x1B8D  }
0xb1: {  	s4 =	sshll.u32 @!p0 s4, $0x11;
	s6 =	sadd.s32 @!p0 $0x11B8D, s6;
	_ =	swait.eq @!p0 [sflag:s5], $0x1  }
0xb2: {  	s4 =	sor.u32 @!p0 s4, s6;
	[sflag:s5] =	ssyncadd.s32 @!p0 $0xFFFFFFFF  }
0xb3: {  	s25 =	simm.s32 $0x1B8E;
	s24 =	sld [smem:$0x3FFE];
	[sflag:s4] =	ssyncadd.remote.s32 @!p0 $0x1  }
0xb4: {  	s26 =	simm.s32 $execute0_lowered;
	[smem:$0x3FD2] =	sst s25  }
0xb5: {  	s5 =	sshll.u32 s26, $0x1;
	_ =	strace $0x80000049;
	[dreg:$0x1] =	wrdreg $0xFFFFFFFF  }
0xb6: {  	s28 =	simm.s32 $_size_execute0_lowered;
	s3 =	sadd.s32 s3, s5;
	[dreg:$0x0] =	wrdreg $0x0  }
0xb7: {  	s5 =	sshll.u32 s28, $0x1;
	[dreg:$0x2] =	wrdreg s3  }
0xb8: {  	[dreg:$0x3] =	wrdreg s5  }
0xb9: {  	[dreg:$0x4] =	wrdreg $0xC0  }
0xba: {  	_ =	task [dreg:s22], $0x5FFFF  }
0xbb: {  	[dreg:$0x1] =	wrdreg $0xFFFFFFFF  }
0xbc: {  	[dreg:$0x0] =	wrdreg $0x60  }
0xbd: {  	[dreg:$0x2] =	wrdreg s24  }
0xbe: {  	[dreg:$0x3] =	wrdreg $0x9  }
0xbf: {  	_ =	task.clear_ibuf [dreg:s22], $0x4FFFF;
	_ =	strace $0x90000049  }
0xc0: {  	s29 =	simm.s32 $0x9;
	_ =	strace $0x8000004B  }
0xc1: {  	_ =	swait.ge [sflag:s29], $0x1  }
0xc2: {  	[sflag:s29] =	ssyncadd.s32 $0xFFFFFFFF  }
0xc3: {  	_ =	strace $0x9000004B  }
0xc4: {  	_ =	sfence  }
0xc5: {  	s30 =	sld [smem:$0x0];
	_ =	sdelay $0x2  }
0xc6: {  	s31 =	sshll.u32 s1, $0xD;
	s1 =	sshrl.u32 s1, $0x2  }
0xc7: {  	s4 =	sand.u32 $0x4000, s31;
	s1 =	sadd.s32 s1, s30  }
0xc8: {  	s0 =	sor.u32 s4, s0;
	s1 =	sshll.u32 s1, $0x11  }
0xc9: {  	s0 =	sor.u32 s1, s0  }
0xca: {  	s0 =	sadd.s32 $0x8F2B, s0  }
0xcb: {  	[sflag:s0] =	ssyncadd.remote.s32 $0x1  }
0xcc: {  	_ =	sfence.sel $0xFFFF  }
0xcd: {  	[dreg:$0x0] =	wrdreg $0xFFFFFFFF;
	(pc) =	sbr.abs _section_cstart, $3  }
0xce: {  	[dreg:$0x1] =	wrdreg $0xFFFFFFFF  }
0xcf: {  	_ =	task.clear_ibuf [dreg:s22], $0x2FFFF;
	_ =	strace $0x9FFFFFFF  }
0xd0: {  	(tm) =	ssettm $0x7FFFFFFF  }
0xd1: {  	_ =	shalt  }
tec
execute0_lowered:
.L_overlay_start_1:
0x0: {  	(tag) =	ssettag $0x1  }
0x1: {  	s0 =	srdreg.scid  }
0x2: {  	s9 =	stileid.u32;
	s4 =	rddreg [dreg:$0x0];
	s10 =	simm.s32 $0x3  }
0x3: {  	s11 =	simm.s32 $0x600;
	s28 =	simm.s32 $0x8600;
	s29 =	simm.s32 $0x8E00  }
0x4: {  	s30 =	simm.s32 $0x9600;
	s31 =	simm.s32 $0x9E00;
	s12 =	simm.s32 $0xD600  }
0x5: {  	s13 =	simm.s32 $0xDE00;
	s14 =	simm.s32 $0xE600;
	s15 =	simm.s32 $0xEE00  }
0x6: {  	s16 =	simm.s32 $0xF600;
	s17 =	simm.s32 $0xFE00;
	s18 =	simm.s32 $0x1  }
0x7: {  	s19 =	simm.s32 $0x2;
	s21 =	simm.s32 $0x0;
	s7 =	smul.u32 $0xC, s9  }
0x8: {  	s0 =	sand.u32 $0x1, s0;
	s2 =	sshll.u32 s9, $0x7;
	s23 =	smul.u32 $0xC000, s9  }
0x9: {  	s1 =	sshll.u32 s0, $0x4;
	s3 =	sand.u32 $0x380, s2;
	s5 =	smul.u32 $0xC0, s0  }
0xa: {  	s2 =	simm.s32 $0x0;
	s6 =	ssub.s32 $0x2, s0;
	s0 =	smul.u32 $0xC0000, s0  }
0xb: {  	s1 =	sor.u32 s9, s1;
	[smem:$0x7FF] =	sst s2;
	s8 =	sshrl.u32 s6, $0x1  }
0xc: {  	s9 =	simm.s32 $0xBE00;
	s1 =	sshrl.u32 s1, $0x3;
	_ =	strace $0x8000004A  }
0xd: {  	s6 =	ssub.s32 s6, s8;
	s5 =	sadd.s32 s7, s5;
	s1 =	smul.u32 $0x3000, s1  }
0xe: {  	s8 =	simm.s32 $0xB600;
	s24 =	sshll.u32 s5, $0xC;
	s25 =	smax.u32 s6, $0x1  }
0xf: {  	s5 =	simm.s32 $0xCE00;
	[dreg:$0x3] =	wrdreg s25;
	s1 =	sor.u32 s3, s1  }
0x10: {  	s25 =	simm.s32 $0x7600;
	s3 =	sadd.s32 $0x3200, s4;
	s1 =	sshrl.u32 s1, $0x3  }
.Ltmp0:
0x11: {  	s1 =	sadd.s32 s1, s4;
	s4 =	sadd.s32 $0x206200, s4;
	(pc) =	sbr.rel .LBB2_1-.Ltmp0, $4  }
0x12: {  	s1 =	sadd.s32 $0x204A00, s1;
	s0 =	sadd.s32 s0, s4;
	s26 =	sadd.s32 s24, s4  }
0x13: {  	v2 =	vlaneseq.u32;
	s24 =	simm.s32 $0x6E00;
	s4 =	simm.s32 $0xC600;
	[dreg:$0x2] =	wrdreg s1  }
0x14: {  	vm0 =	vmmov $0xffff;
	v1 =	vshrl.u32 v2, $0x3;
	s6 =	sadd.s32 s23, s0;
	s7 =	sadd.s32 $0x1000, s26;
	s23 =	simm.s32 $0x6600  }
0x15: {  	v0 =	vand.u32 $0x7, v2;
	v2 =	vor.u32 $0x8, v2;
	v1 =	vmul.u32 $0x8, v1;
	s26 =	simm.s32 $0x7E00;
	s1 =	simm.s32 $0xA600;
	s0 =	simm.s32 $0xAE00  }
.LBB2_5:
0x16: {  	s21 =	rddreg [dreg:$0x4]  }
0x17: {  	s20 =	rddreg [dreg:$0x3];
	s21 =	sadd.s32 $0x1, s21  }
0x18: {  	p0 =	sne.s32 s21, s20  }
.Ltmp1:
0x19: {  	_ = 	snop;
	(pc) =	sbr.rel @!p0 .LBB2_6-.Ltmp1, $1  }
0x1a: {  	_ =	sdelay $0x3  }
.LBB2_1:
0x1b: {  	[dreg:$0x4] =	wrdreg s21  }
0x1c: {  	s20 =	rddreg [dreg:$0x2];
	s21 =	simm.s32 $0x80;
	s22 =	simm.s32 $0x400  }
0x1d: {  	[tilespmem:s2], [sflag:$0x3] =	stream.strided.gather [hbm4b:s20+s21], $0x600, s22, s21, $0x38;
	[tilespmem:$0x10600] =	vst v63  }
0x1e: {  	_ =	swait.ge [sflag:s10], $0x600  }
0x1f: {  	[sflag:s10] =	ssyncset.done $0x0  }
0x20: {  	[sflag:s10] =	ssyncadd.s32 $0xFFFFFA00  }
0x21: {  	v3 =	vld [tilespmem:$0x0];
	_ =	sdelay $0x4  }
0x22: {  	v4 =	vshll.u32 v3, $0x1  }
0x23: {  	v3 =	vand.u32 $0x7, v3;
	v4 =	vand.u32 $0xFFFFFFF0, v4  }
0x24: {  	v3 =	vor.u32 v3, v4  }
0x25: {  	v4 =	vperm.xlane v3, v0;
	_ =	sdelay $0x1  }
0x26: {  	v3 =	vperm.xlane v3, v2;
	v4 =	vadd.s32 v1, v4;
	_ =	sdelay $0x1  }
0x27: {  	v3 =	vadd.s32 v1, v3;
	_ =	sdelay $0x2  }
0x28: {  	[tilespmem:s11], [sflag:$0x1] =	stream.indirect_vreg.gather [hbm4b:s3+s2], $0x80, v4, vm0, $0xb8;
	[tilespmem:$0x10600] =	vst v63  }
0x29: {  	s22 =	simm.s32 $0xE00  }
0x2a: {  	[tilespmem:s22], [sflag:$0x1] =	stream.indirect_vreg.gather [hbm4b:s3+s2], $0x80, v3, vm0, $0xb8;
	[tilespmem:$0x10600] =	vst v63  }
0x2b: {  	v3 =	vld [tilespmem:$0x10];
	_ =	sdelay $0x4  }
0x2c: {  	v57 =	vshll.u32 v3, $0x1  }
0x2d: {  	v3 =	vand.u32 $0x7, v3;
	v4 =	vand.u32 $0xFFFFFFF0, v57  }
0x2e: {  	v3 =	vor.u32 v3, v4  }
0x2f: {  	v4 =	vperm.xlane v3, v0;
	_ =	sdelay $0x1  }
0x30: {  	v3 =	vperm.xlane v3, v2;
	v4 =	vadd.s32 v1, v4;
	_ =	sdelay $0x1  }
0x31: {  	v3 =	vadd.s32 v1, v3;
	_ =	sdelay $0x1  }
0x32: {  	s21 =	simm.s32 $0x1600  }
0x33: {  	[tilespmem:s21], [sflag:$0x1] =	stream.indirect_vreg.gather [hbm4b:s3+s2], $0x80, v4, vm0, $0xb8;
	[tilespmem:$0x10600] =	vst v63  }
0x34: {  	s22 =	simm.s32 $0x1E00  }
0x35: {  	[tilespmem:s22], [sflag:$0x1] =	stream.indirect_vreg.gather [hbm4b:s3+s2], $0x80, v3, vm0, $0xb8;
	[tilespmem:$0x10600] =	vst v63  }
0x36: {  	v3 =	vld [tilespmem:$0x20];
	_ =	sdelay $0x4  }
0x37: {  	v58 =	vshll.u32 v3, $0x1  }
0x38: {  	v3 =	vand.u32 $0x7, v3;
	v4 =	vand.u32 $0xFFFFFFF0, v58  }
0x39: {  	v3 =	vor.u32 v3, v4  }
0x3a: {  	v4 =	vperm.xlane v3, v0;
	_ =	sdelay $0x1  }
0x3b: {  	v3 =	vperm.xlane v3, v2;
	v4 =	vadd.s32 v1, v4;
	_ =	sdelay $0x1  }
0x3c: {  	v3 =	vadd.s32 v1, v3;
	_ =	sdelay $0x1  }
0x3d: {  	s21 =	simm.s32 $0x2600  }
0x3e: {  	[tilespmem:s21], [sflag:$0x1] =	stream.indirect_vreg.gather [hbm4b:s3+s2], $0x80, v4, vm0, $0xb8;
	[tilespmem:$0x10600] =	vst v63  }
0x3f: {  	s22 =	simm.s32 $0x2E00  }
0x40: {  	[tilespmem:s22], [sflag:$0x1] =	stream.indirect_vreg.gather [hbm4b:s3+s2], $0x80, v3, vm0, $0xb8;
	[tilespmem:$0x10600] =	vst v63  }
0x41: {  	v3 =	vld [tilespmem:$0x30];
	_ =	sdelay $0x4  }
0x42: {  	v59 =	vshll.u32 v3, $0x1  }
0x43: {  	v3 =	vand.u32 $0x7, v3;
	v4 =	vand.u32 $0xFFFFFFF0, v59  }
0x44: {  	v3 =	vor.u32 v3, v4  }
0x45: {  	v4 =	vperm.xlane v3, v0;
	_ =	sdelay $0x1  }
0x46: {  	v3 =	vperm.xlane v3, v2;
	v4 =	vadd.s32 v1, v4;
	_ =	sdelay $0x1  }
0x47: {  	v3 =	vadd.s32 v1, v3;
	_ =	sdelay $0x1  }
0x48: {  	s21 =	simm.s32 $0x3600  }
0x49: {  	[tilespmem:s21], [sflag:$0x1] =	stream.indirect_vreg.gather [hbm4b:s3+s2], $0x80, v4, vm0, $0xb8;
	[tilespmem:$0x10600] =	vst v63  }
0x4a: {  	s22 =	simm.s32 $0x3E00  }
0x4b: {  	[tilespmem:s22], [sflag:$0x1] =	stream.indirect_vreg.gather [hbm4b:s3+s2], $0x80, v3, vm0, $0xb8;
	[tilespmem:$0x10600] =	vst v63  }
0x4c: {  	v3 =	vld [tilespmem:$0x40];
	_ =	sdelay $0x4  }
0x4d: {  	v60 =	vshll.u32 v3, $0x1  }
0x4e: {  	v3 =	vand.u32 $0x7, v3;
	v4 =	vand.u32 $0xFFFFFFF0, v60  }
0x4f: {  	v3 =	vor.u32 v3, v4  }
0x50: {  	v4 =	vperm.xlane v3, v0;
	_ =	sdelay $0x1  }
0x51: {  	v3 =	vperm.xlane v3, v2;
	v4 =	vadd.s32 v1, v4;
	_ =	sdelay $0x1  }
0x52: {  	v3 =	vadd.s32 v1, v3;
	_ =	sdelay $0x1  }
0x53: {  	s21 =	simm.s32 $0x4600  }
0x54: {  	[tilespmem:s21], [sflag:$0x1] =	stream.indirect_vreg.gather [hbm4b:s3+s2], $0x80, v4, vm0, $0xb8;
	[tilespmem:$0x10600] =	vst v63  }
0x55: {  	s22 =	simm.s32 $0x4E00  }
0x56: {  	[tilespmem:s22], [sflag:$0x1] =	stream.indirect_vreg.gather [hbm4b:s3+s2], $0x80, v3, vm0, $0xb8;
	[tilespmem:$0x10600] =	vst v63  }
0x57: {  	v3 =	vld [tilespmem:$0x50];
	_ =	sdelay $0x4  }
0x58: {  	v61 =	vshll.u32 v3, $0x1  }
0x59: {  	v3 =	vand.u32 $0x7, v3;
	v4 =	vand.u32 $0xFFFFFFF0, v61  }
0x5a: {  	v3 =	vor.u32 v3, v4  }
0x5b: {  	v4 =	vperm.xlane v3, v0;
	_ =	sdelay $0x1  }
0x5c: {  	v3 =	vperm.xlane v3, v2;
	v4 =	vadd.s32 v1, v4;
	_ =	sdelay $0x1  }
0x5d: {  	v3 =	vadd.s32 v1, v3;
	_ =	sdelay $0x1  }
0x5e: {  	s21 =	simm.s32 $0x5600  }
0x5f: {  	[tilespmem:s21], [sflag:$0x1] =	stream.indirect_vreg.gather [hbm4b:s3+s2], $0x80, v4, vm0, $0xb8;
	[tilespmem:$0x10600] =	vst v63  }
0x60: {  	s22 =	simm.s32 $0x5E00  }
0x61: {  	[tilespmem:s22], [sflag:$0x1] =	stream.indirect_vreg.gather [hbm4b:s3+s2], $0x80, v3, vm0, $0xb8;
	[tilespmem:$0x10600] =	vst v63  }
0x62: {  	v3 =	vld [tilespmem:$0x60];
	_ =	sdelay $0x4  }
0x63: {  	v62 =	vshll.u32 v3, $0x1  }
0x64: {  	v3 =	vand.u32 $0x7, v3;
	v4 =	vand.u32 $0xFFFFFFF0, v62  }
0x65: {  	v3 =	vor.u32 v3, v4  }
0x66: {  	v4 =	vperm.xlane v3, v0;
	_ =	sdelay $0x1  }
0x67: {  	v3 =	vperm.xlane v3, v2;
	v4 =	vadd.s32 v1, v4;
	_ =	sdelay $0x1  }
0x68: {  	v3 =	vadd.s32 v1, v3;
	_ =	sdelay $0x2  }
0x69: {  	[tilespmem:s23], [sflag:$0x1] =	stream.indirect_vreg.gather [hbm4b:s3+s2], $0x80, v4, vm0, $0xb8;
	[tilespmem:$0x10600] =	vst v63  }
0x6a: {  	_ = 	snop  }
0x6b: {  	[tilespmem:s24], [sflag:$0x1] =	stream.indirect_vreg.gather [hbm4b:s3+s2], $0x80, v3, vm0, $0xb8;
	[tilespmem:$0x10600] =	vst v63  }
0x6c: {  	v3 =	vld [tilespmem:$0x70];
	_ =	sdelay $0x4  }
0x6d: {  	v63 =	vshll.u32 v3, $0x1  }
0x6e: {  	v3 =	vand.u32 $0x7, v3;
	v4 =	vand.u32 $0xFFFFFFF0, v63  }
0x6f: {  	v3 =	vor.u32 v3, v4  }
0x70: {  	v4 =	vperm.xlane v3, v0;
	_ =	sdelay $0x1  }
0x71: {  	v3 =	vperm.xlane v3, v2;
	v4 =	vadd.s32 v1, v4;
	_ =	sdelay $0x1  }
0x72: {  	v3 =	vadd.s32 v1, v3  }
.Ltmp2:
0x73: {  	_ = 	snop;
	(pc) =	sbr.rel .LBB2_2-.Ltmp2, $4  }
0x74: {  	_ = 	snop  }
0x75: {  	[tilespmem:s25], [sflag:$0x1] =	stream.indirect_vreg.gather [hbm4b:s3+s2], $0x80, v4, vm0, $0xb8;
	[tilespmem:$0x10600] =	vst v63  }
0x76: {  	s20 =	simm.s32 $0xC0;
	s21 =	simm.s32 $0x0  }
0x77: {  	[tilespmem:s26], [sflag:$0x1] =	stream.indirect_vreg.gather [hbm4b:s3+s2], $0x80, v3, vm0, $0xb8;
	[tilespmem:$0x10600] =	vst v63  }
.LBB2_4:
0x78: {  	_ =	swait.ge [sflag:s19], $0x8000;
	s22 =	sadd.s32 s21, s7;
	s21 =	sadd.s32 $0x2000, s21  }
0x79: {  	[sflag:s19] =	ssyncset.done $0x0;
	p0 =	sne.s32 s21, $0xC000  }
.Ltmp3:
0x7a: {  	[sflag:s19] =	ssyncadd.s32 $0xFFFF8000;
	(pc) =	sbr.rel @!p0 .LBB2_5-.Ltmp3, $4  }
0x7b: {  	[hbm4b:s22+s2] =	stream.linear.scatter [tilespmem:s28], [sflag:$0x3], $0x8000, $0x38;
	[tilespmem:$0x10600] =	vst v63  }
0x7c: {  	_ =	swait.ge [sflag:s10], $0x8000  }
0x7d: {  	[sflag:s10] =	ssyncset.done $0x0  }
0x7e: {  	s20 =	sadd.s32 $0x100, s20;
	[sflag:s10] =	ssyncadd.s32 $0xFFFF8000  }
.LBB2_2:
0x7f: {  	v3 =	vld [tilespmem:s20+$0xFFFFFFC0];
	_ =	sdelay $0x4  }
0x80: {  	v4 =	vshll.u32 v3, $0x1  }
0x81: {  	v3 =	vand.u32 $0x7, v3;
	v4 =	vand.u32 $0xFFFFFFF0, v4  }
0x82: {  	v3 =	vor.u32 v3, v4  }
0x83: {  	v4 =	vperm.xlane v3, v0;
	_ =	sdelay $0x1  }
0x84: {  	v3 =	vperm.xlane v3, v2;
	v4 =	vadd.s32 v1, v4;
	_ =	sdelay $0x1  }
0x85: {  	v3 =	vadd.s32 v1, v3;
	_ =	sdelay $0x2  }
0x86: {  	[tilespmem:s28], [sflag:$0x2] =	stream.indirect_vreg.gather [hbm4b:s3+s2], $0x80, v4, vm0, $0xb8;
	[tilespmem:$0x10600] =	vst v63  }
0x87: {  	_ = 	snop  }
0x88: {  	[tilespmem:s29], [sflag:$0x2] =	stream.indirect_vreg.gather [hbm4b:s3+s2], $0x80, v3, vm0, $0xb8;
	[tilespmem:$0x10600] =	vst v63  }
0x89: {  	v3 =	vld [tilespmem:s20+$0xFFFFFFD0];
	_ =	sdelay $0x4  }
0x8a: {  	v57 =	vshll.u32 v3, $0x1  }
0x8b: {  	v3 =	vand.u32 $0x7, v3;
	v4 =	vand.u32 $0xFFFFFFF0, v57  }
0x8c: {  	v3 =	vor.u32 v3, v4  }
0x8d: {  	v4 =	vperm.xlane v3, v0;
	_ =	sdelay $0x1  }
0x8e: {  	v3 =	vperm.xlane v3, v2;
	v4 =	vadd.s32 v1, v4;
	_ =	sdelay $0x1  }
0x8f: {  	v3 =	vadd.s32 v1, v3;
	_ =	sdelay $0x2  }
0x90: {  	[tilespmem:s30], [sflag:$0x2] =	stream.indirect_vreg.gather [hbm4b:s3+s2], $0x80, v4, vm0, $0xb8;
	[tilespmem:$0x10600] =	vst v63  }
0x91: {  	_ = 	snop  }
0x92: {  	[tilespmem:s31], [sflag:$0x2] =	stream.indirect_vreg.gather [hbm4b:s3+s2], $0x80, v3, vm0, $0xb8;
	[tilespmem:$0x10600] =	vst v63  }
0x93: {  	v3 =	vld [tilespmem:s20+$0xFFFFFFE0];
	_ =	sdelay $0x4  }
0x94: {  	v58 =	vshll.u32 v3, $0x1  }
0x95: {  	v3 =	vand.u32 $0x7, v3;
	v4 =	vand.u32 $0xFFFFFFF0, v58  }
0x96: {  	v3 =	vor.u32 v3, v4  }
0x97: {  	v4 =	vperm.xlane v3, v0;
	_ =	sdelay $0x1  }
0x98: {  	v3 =	vperm.xlane v3, v2;
	v4 =	vadd.s32 v1, v4;
	_ =	sdelay $0x1  }
0x99: {  	v3 =	vadd.s32 v1, v3;
	_ =	sdelay $0x2  }
0x9a: {  	[tilespmem:s1], [sflag:$0x2] =	stream.indirect_vreg.gather [hbm4b:s3+s2], $0x80, v4, vm0, $0xb8;
	[tilespmem:$0x10600] =	vst v63  }
0x9b: {  	_ = 	snop  }
0x9c: {  	[tilespmem:s0], [sflag:$0x2] =	stream.indirect_vreg.gather [hbm4b:s3+s2], $0x80, v3, vm0, $0xb8;
	[tilespmem:$0x10600] =	vst v63  }
0x9d: {  	v3 =	vld [tilespmem:s20+$0xFFFFFFF0];
	_ =	sdelay $0x4  }
0x9e: {  	v59 =	vshll.u32 v3, $0x1  }
0x9f: {  	v3 =	vand.u32 $0x7, v3;
	v4 =	vand.u32 $0xFFFFFFF0, v59  }
0xa0: {  	v3 =	vor.u32 v3, v4  }
0xa1: {  	v4 =	vperm.xlane v3, v0;
	_ =	sdelay $0x1  }
0xa2: {  	v3 =	vperm.xlane v3, v2;
	v4 =	vadd.s32 v1, v4;
	_ =	sdelay $0x1  }
0xa3: {  	v3 =	vadd.s32 v1, v3;
	_ =	sdelay $0x2  }
0xa4: {  	[tilespmem:s8], [sflag:$0x2] =	stream.indirect_vreg.gather [hbm4b:s3+s2], $0x80, v4, vm0, $0xb8;
	[tilespmem:$0x10600] =	vst v63  }
0xa5: {  	_ = 	snop  }
0xa6: {  	[tilespmem:s9], [sflag:$0x2] =	stream.indirect_vreg.gather [hbm4b:s3+s2], $0x80, v3, vm0, $0xb8;
	[tilespmem:$0x10600] =	vst v63  }
0xa7: {  	v3 =	vld [tilespmem:s20+$0x0];
	_ =	sdelay $0x4  }
0xa8: {  	v60 =	vshll.u32 v3, $0x1  }
0xa9: {  	v3 =	vand.u32 $0x7, v3;
	v4 =	vand.u32 $0xFFFFFFF0, v60  }
0xaa: {  	v3 =	vor.u32 v3, v4  }
0xab: {  	v4 =	vperm.xlane v3, v0;
	_ =	sdelay $0x1  }
0xac: {  	v3 =	vperm.xlane v3, v2;
	v4 =	vadd.s32 v1, v4;
	_ =	sdelay $0x1  }
0xad: {  	v3 =	vadd.s32 v1, v3;
	_ =	sdelay $0x2  }
0xae: {  	[tilespmem:s4], [sflag:$0x2] =	stream.indirect_vreg.gather [hbm4b:s3+s2], $0x80, v4, vm0, $0xb8;
	[tilespmem:$0x10600] =	vst v63  }
0xaf: {  	_ = 	snop  }
0xb0: {  	[tilespmem:s5], [sflag:$0x2] =	stream.indirect_vreg.gather [hbm4b:s3+s2], $0x80, v3, vm0, $0xb8;
	[tilespmem:$0x10600] =	vst v63  }
0xb1: {  	v3 =	vld [tilespmem:s20+$0x10];
	_ =	sdelay $0x4  }
0xb2: {  	v61 =	vshll.u32 v3, $0x1  }
0xb3: {  	v3 =	vand.u32 $0x7, v3;
	v4 =	vand.u32 $0xFFFFFFF0, v61  }
0xb4: {  	v3 =	vor.u32 v3, v4  }
0xb5: {  	v4 =	vperm.xlane v3, v0;
	_ =	sdelay $0x1  }
0xb6: {  	v3 =	vperm.xlane v3, v2;
	v4 =	vadd.s32 v1, v4;
	_ =	sdelay $0x1  }
0xb7: {  	v3 =	vadd.s32 v1, v3;
	_ =	sdelay $0x2  }
0xb8: {  	[tilespmem:s12], [sflag:$0x2] =	stream.indirect_vreg.gather [hbm4b:s3+s2], $0x80, v4, vm0, $0xb8;
	[tilespmem:$0x10600] =	vst v63  }
0xb9: {  	_ = 	snop  }
0xba: {  	[tilespmem:s13], [sflag:$0x2] =	stream.indirect_vreg.gather [hbm4b:s3+s2], $0x80, v3, vm0, $0xb8;
	[tilespmem:$0x10600] =	vst v63  }
0xbb: {  	v3 =	vld [tilespmem:s20+$0x20];
	_ =	sdelay $0x4  }
0xbc: {  	v62 =	vshll.u32 v3, $0x1  }
0xbd: {  	v3 =	vand.u32 $0x7, v3;
	v4 =	vand.u32 $0xFFFFFFF0, v62  }
0xbe: {  	v3 =	vor.u32 v3, v4  }
0xbf: {  	v4 =	vperm.xlane v3, v0;
	_ =	sdelay $0x1  }
0xc0: {  	v3 =	vperm.xlane v3, v2;
	v4 =	vadd.s32 v1, v4;
	_ =	sdelay $0x1  }
0xc1: {  	v3 =	vadd.s32 v1, v3;
	_ =	sdelay $0x2  }
0xc2: {  	[tilespmem:s14], [sflag:$0x2] =	stream.indirect_vreg.gather [hbm4b:s3+s2], $0x80, v4, vm0, $0xb8;
	[tilespmem:$0x10600] =	vst v63  }
0xc3: {  	_ = 	snop  }
0xc4: {  	[tilespmem:s15], [sflag:$0x2] =	stream.indirect_vreg.gather [hbm4b:s3+s2], $0x80, v3, vm0, $0xb8;
	[tilespmem:$0x10600] =	vst v63  }
0xc5: {  	v3 =	vld [tilespmem:s20+$0x30];
	_ =	sdelay $0x4  }
0xc6: {  	v63 =	vshll.u32 v3, $0x1  }
0xc7: {  	v3 =	vand.u32 $0x7, v3;
	v4 =	vand.u32 $0xFFFFFFF0, v63  }
0xc8: {  	v3 =	vor.u32 v3, v4  }
0xc9: {  	v4 =	vperm.xlane v3, v0;
	_ =	sdelay $0x1  }
0xca: {  	v3 =	vperm.xlane v3, v2;
	v4 =	vadd.s32 v1, v4;
	_ =	sdelay $0x1  }
0xcb: {  	v3 =	vadd.s32 v1, v3;
	_ =	sdelay $0x2  }
0xcc: {  	[tilespmem:s16], [sflag:$0x2] =	stream.indirect_vreg.gather [hbm4b:s3+s2], $0x80, v4, vm0, $0xb8;
	[tilespmem:$0x10600] =	vst v63  }
0xcd: {  	_ = 	snop  }
0xce: {  	[tilespmem:s17], [sflag:$0x2] =	stream.indirect_vreg.gather [hbm4b:s3+s2], $0x80, v3, vm0, $0xb8;
	[tilespmem:$0x10600] =	vst v63  }
0xcf: {  	_ =	swait.ge [sflag:s18], $0x8000  }
0xd0: {  	p0 =	seq.s32 s21, $0xA000;
	[sflag:s18] =	ssyncset.done $0x0  }
.Ltmp4:
0xd1: {  	s22 =	sadd.s32 s21, s6;
	[sflag:s18] =	ssyncadd.s32 $0xFFFF8000;
	(pc) =	sbr.rel @p0 .LBB2_4-.Ltmp4, $4  }
0xd2: {  	[hbm4b:s22+s2] =	stream.linear.scatter [tilespmem:s11], [sflag:$0x3], $0x8000, $0x38;
	[tilespmem:$0x10600] =	vst v63  }
0xd3: {  	_ =	swait.ge [sflag:s10], $0x8000  }
0xd4: {  	[sflag:s10] =	ssyncset.done $0x0  }
0xd5: {  	[sflag:s10] =	ssyncadd.s32 $0xFFFF8000  }
0xd6: {  	v3 =	vld [tilespmem:s20+$0x40];
	_ =	sdelay $0x4  }
0xd7: {  	v4 =	vshll.u32 v3, $0x1  }
0xd8: {  	v3 =	vand.u32 $0x7, v3;
	v4 =	vand.u32 $0xFFFFFFF0, v4  }
0xd9: {  	v3 =	vor.u32 v3, v4  }
0xda: {  	v4 =	vperm.xlane v3, v0;
	_ =	sdelay $0x1  }
0xdb: {  	v3 =	vperm.xlane v3, v2;
	v4 =	vadd.s32 v1, v4;
	_ =	sdelay $0x1  }
0xdc: {  	v3 =	vadd.s32 v1, v3;
	_ =	sdelay $0x2  }
0xdd: {  	[tilespmem:s11], [sflag:$0x1] =	stream.indirect_vreg.gather [hbm4b:s3+s2], $0x80, v4, vm0, $0xb8;
	[tilespmem:$0x10600] =	vst v63  }
0xde: {  	s22 =	simm.s32 $0xE00  }
0xdf: {  	[tilespmem:s22], [sflag:$0x1] =	stream.indirect_vreg.gather [hbm4b:s3+s2], $0x80, v3, vm0, $0xb8;
	[tilespmem:$0x10600] =	vst v63  }
0xe0: {  	v3 =	vld [tilespmem:s20+$0x50];
	_ =	sdelay $0x4  }
0xe1: {  	v57 =	vshll.u32 v3, $0x1  }
0xe2: {  	v3 =	vand.u32 $0x7, v3;
	v4 =	vand.u32 $0xFFFFFFF0, v57  }
0xe3: {  	v3 =	vor.u32 v3, v4  }
0xe4: {  	v4 =	vperm.xlane v3, v0;
	_ =	sdelay $0x1  }
0xe5: {  	v3 =	vperm.xlane v3, v2;
	v4 =	vadd.s32 v1, v4;
	_ =	sdelay $0x1  }
0xe6: {  	v3 =	vadd.s32 v1, v3;
	_ =	sdelay $0x1  }
0xe7: {  	s22 =	simm.s32 $0x1600  }
0xe8: {  	[tilespmem:s22], [sflag:$0x1] =	stream.indirect_vreg.gather [hbm4b:s3+s2], $0x80, v4, vm0, $0xb8;
	[tilespmem:$0x10600] =	vst v63  }
0xe9: {  	s22 =	simm.s32 $0x1E00  }
0xea: {  	[tilespmem:s22], [sflag:$0x1] =	stream.indirect_vreg.gather [hbm4b:s3+s2], $0x80, v3, vm0, $0xb8;
	[tilespmem:$0x10600] =	vst v63  }
0xeb: {  	v3 =	vld [tilespmem:s20+$0x60];
	_ =	sdelay $0x4  }
0xec: {  	v58 =	vshll.u32 v3, $0x1  }
0xed: {  	v3 =	vand.u32 $0x7, v3;
	v4 =	vand.u32 $0xFFFFFFF0, v58  }
0xee: {  	v3 =	vor.u32 v3, v4  }
0xef: {  	v4 =	vperm.xlane v3, v0;
	_ =	sdelay $0x1  }
0xf0: {  	v3 =	vperm.xlane v3, v2;
	v4 =	vadd.s32 v1, v4;
	_ =	sdelay $0x1  }
0xf1: {  	v3 =	vadd.s32 v1, v3;
	_ =	sdelay $0x1  }
0xf2: {  	s22 =	simm.s32 $0x2600  }
0xf3: {  	[tilespmem:s22], [sflag:$0x1] =	stream.indirect_vreg.gather [hbm4b:s3+s2], $0x80, v4, vm0, $0xb8;
	[tilespmem:$0x10600] =	vst v63  }
0xf4: {  	s22 =	simm.s32 $0x2E00  }
0xf5: {  	[tilespmem:s22], [sflag:$0x1] =	stream.indirect_vreg.gather [hbm4b:s3+s2], $0x80, v3, vm0, $0xb8;
	[tilespmem:$0x10600] =	vst v63  }
0xf6: {  	v3 =	vld [tilespmem:s20+$0x70];
	_ =	sdelay $0x4  }
0xf7: {  	v59 =	vshll.u32 v3, $0x1  }
0xf8: {  	v3 =	vand.u32 $0x7, v3;
	v4 =	vand.u32 $0xFFFFFFF0, v59  }
0xf9: {  	v3 =	vor.u32 v3, v4  }
0xfa: {  	v4 =	vperm.xlane v3, v0;
	_ =	sdelay $0x1  }
0xfb: {  	v3 =	vperm.xlane v3, v2;
	v4 =	vadd.s32 v1, v4;
	_ =	sdelay $0x1  }
0xfc: {  	v3 =	vadd.s32 v1, v3;
	_ =	sdelay $0x1  }
0xfd: {  	s22 =	simm.s32 $0x3600  }
0xfe: {  	[tilespmem:s22], [sflag:$0x1] =	stream.indirect_vreg.gather [hbm4b:s3+s2], $0x80, v4, vm0, $0xb8;
	[tilespmem:$0x10600] =	vst v63  }
0xff: {  	s22 =	simm.s32 $0x3E00  }
0x100: {  	[tilespmem:s22], [sflag:$0x1] =	stream.indirect_vreg.gather [hbm4b:s3+s2], $0x80, v3, vm0, $0xb8;
	[tilespmem:$0x10600] =	vst v63  }
0x101: {  	v3 =	vld [tilespmem:s20+$0x80];
	_ =	sdelay $0x4  }
0x102: {  	v60 =	vshll.u32 v3, $0x1  }
0x103: {  	v3 =	vand.u32 $0x7, v3;
	v4 =	vand.u32 $0xFFFFFFF0, v60  }
0x104: {  	v3 =	vor.u32 v3, v4  }
0x105: {  	v4 =	vperm.xlane v3, v0;
	_ =	sdelay $0x1  }
0x106: {  	v3 =	vperm.xlane v3, v2;
	v4 =	vadd.s32 v1, v4;
	_ =	sdelay $0x1  }
0x107: {  	v3 =	vadd.s32 v1, v3;
	_ =	sdelay $0x1  }
0x108: {  	s22 =	simm.s32 $0x4600  }
0x109: {  	[tilespmem:s22], [sflag:$0x1] =	stream.indirect_vreg.gather [hbm4b:s3+s2], $0x80, v4, vm0, $0xb8;
	[tilespmem:$0x10600] =	vst v63  }
0x10a: {  	s22 =	simm.s32 $0x4E00  }
0x10b: {  	[tilespmem:s22], [sflag:$0x1] =	stream.indirect_vreg.gather [hbm4b:s3+s2], $0x80, v3, vm0, $0xb8;
	[tilespmem:$0x10600] =	vst v63  }
0x10c: {  	v3 =	vld [tilespmem:s20+$0x90];
	_ =	sdelay $0x4  }
0x10d: {  	v61 =	vshll.u32 v3, $0x1  }
0x10e: {  	v3 =	vand.u32 $0x7, v3;
	v4 =	vand.u32 $0xFFFFFFF0, v61  }
0x10f: {  	v3 =	vor.u32 v3, v4  }
0x110: {  	v4 =	vperm.xlane v3, v0;
	_ =	sdelay $0x1  }
0x111: {  	v3 =	vperm.xlane v3, v2;
	v4 =	vadd.s32 v1, v4;
	_ =	sdelay $0x1  }
0x112: {  	v3 =	vadd.s32 v1, v3;
	_ =	sdelay $0x1  }
0x113: {  	s22 =	simm.s32 $0x5600  }
0x114: {  	[tilespmem:s22], [sflag:$0x1] =	stream.indirect_vreg.gather [hbm4b:s3+s2], $0x80, v4, vm0, $0xb8;
	[tilespmem:$0x10600] =	vst v63  }
0x115: {  	s22 =	simm.s32 $0x5E00  }
0x116: {  	[tilespmem:s22], [sflag:$0x1] =	stream.indirect_vreg.gather [hbm4b:s3+s2], $0x80, v3, vm0, $0xb8;
	[tilespmem:$0x10600] =	vst v63  }
0x117: {  	v3 =	vld [tilespmem:s20+$0xA0];
	_ =	sdelay $0x4  }
0x118: {  	v62 =	vshll.u32 v3, $0x1  }
0x119: {  	v3 =	vand.u32 $0x7, v3;
	v4 =	vand.u32 $0xFFFFFFF0, v62  }
0x11a: {  	v3 =	vor.u32 v3, v4  }
0x11b: {  	v4 =	vperm.xlane v3, v0;
	_ =	sdelay $0x1  }
0x11c: {  	v3 =	vperm.xlane v3, v2;
	v4 =	vadd.s32 v1, v4;
	_ =	sdelay $0x1  }
0x11d: {  	v3 =	vadd.s32 v1, v3;
	_ =	sdelay $0x2  }
0x11e: {  	[tilespmem:s23], [sflag:$0x1] =	stream.indirect_vreg.gather [hbm4b:s3+s2], $0x80, v4, vm0, $0xb8;
	[tilespmem:$0x10600] =	vst v63  }
0x11f: {  	_ = 	snop  }
0x120: {  	[tilespmem:s24], [sflag:$0x1] =	stream.indirect_vreg.gather [hbm4b:s3+s2], $0x80, v3, vm0, $0xb8;
	[tilespmem:$0x10600] =	vst v63  }
0x121: {  	v3 =	vld [tilespmem:s20+$0xB0];
	_ =	sdelay $0x4  }
0x122: {  	v63 =	vshll.u32 v3, $0x1  }
0x123: {  	v3 =	vand.u32 $0x7, v3;
	v4 =	vand.u32 $0xFFFFFFF0, v63  }
0x124: {  	v3 =	vor.u32 v3, v4  }
0x125: {  	v4 =	vperm.xlane v3, v0;
	_ =	sdelay $0x1  }
0x126: {  	v3 =	vperm.xlane v3, v2;
	v4 =	vadd.s32 v1, v4;
	_ =	sdelay $0x1  }
0x127: {  	v3 =	vadd.s32 v1, v3  }
.Ltmp5:
0x128: {  	_ = 	snop;
	(pc) =	sbr.rel .LBB2_4-.Ltmp5, $4  }
0x129: {  	_ = 	snop  }
0x12a: {  	[tilespmem:s25], [sflag:$0x1] =	stream.indirect_vreg.gather [hbm4b:s3+s2], $0x80, v4, vm0, $0xb8;
	[tilespmem:$0x10600] =	vst v63  }
0x12b: {  	_ = 	snop  }
0x12c: {  	[tilespmem:s26], [sflag:$0x1] =	stream.indirect_vreg.gather [hbm4b:s3+s2], $0x80, v3, vm0, $0xb8;
	[tilespmem:$0x10600] =	vst v63  }
.LBB2_6:
0x12d: {  	_ =	sfence.sel $0x180000  }
0x12e: {  	[bflag:$0x0] =	sbarrier.arrive $0xFFFF  }
0x12f: {  	_ =	strace $0x9000004A  }
0x130: {  	s0 =	stileid.u32;
	[bflag:$0x2] =	sbarrier.arrive $0xFFFF  }
0x131: {  	p0 =	sne.s32 s0, $0x0;
	s0 =	rddreg [dreg:$0x1]  }
0x132: {  	s0 =	sadd.s32 @!p0 $0x100000, s0  }
0x133: {  	[sflag:s0] =	ssyncadd.tile.s32 @!p0 $0x1;
	_ =	shalt  }
.Lfunc_end2:
_tile_overlayer_lowered:
.L_overlay_start_2:
0x134: {  	(tag) =	ssettag $0x2  }
0x135: {  	s0 =	rddreg [dreg:$0x0];
	s2 =	stileid.u32  }
0x136: {  	s1 =	rddreg [dreg:$0x1];
	p0 =	sne.s32 s2, $0x0  }
0x137: {  	s3 =	rddreg [dreg:$0x2];
	[bflag:$0x3] =	sbarrier.arrive $0xFFFF;
	s2 =	simm.s32 @!p0 $0x1C03  }
0x138: {  	[timem:s3], [sflag:s2] =	dma.local @!p0 [hbm:s0], s1  }
0x139: {  	s0 =	simm.s32 @!p0 $0x3  }
0x13a: {  	_ =	swait.ge @!p0 [sflag:s0], s1  }
0x13b: {  	s1 =	ssub.s32 @!p0 $0x0, s1;
	[sflag:s0] =	ssyncset.done @!p0 $0x0  }
0x13c: {  	[sflag:s0] =	ssyncadd.s32 @!p0 s1  }
0x13d: {  	[bflag:$0x3] =	sbarrier.arrive $0xFFFF  }
0x13e: {  	_ =	shalt  }

// kernel: kernel.15.cloned.1.call-start
scs
__scs_entry_jumppad:
0x0: {  	(pc) =	sbr.rel $0x88, $3  }
0x1: {  	(tag) =	ssettag $0x0;
	lr =	simm.s32 $0x1  }
0x2: {  	[smem:$0x3F95] =	sst lr;
	_ =	strace $0xD0000000  }
0x3: {  	_ = 	snop  }
0x4: {  	_ = 	snop  }
0x5: {  	_ = 	snop  }
0x6: {  	_ = 	snop  }
0x7: {  	_ = 	snop  }
__scs_overlays_trampoline_lowered:
0x8: {  	[smem:$0x3FA4] =	sst s0  }
0x9: {  	[smem:$0x3FA5] =	sst s1  }
0xa: {  	[smem:$0x3FA6] =	sst s2  }
0xb: {  	[smem:$0x3FA7] =	sst s3  }
0xc: {  	[smem:$0x3FA8] =	sst s4  }
0xd: {  	[smem:$0x3FA9] =	sst s5  }
0xe: {  	[smem:$0x3FAA] =	sst s6  }
0xf: {  	[smem:$0x3FAB] =	sst s7  }
0x10: {  	[smem:$0x3FAC] =	sst s8  }
0x11: {  	[smem:$0x3FAD] =	sst s9;
	s0 =	simm.s32 @!p0 $0x0  }
0x12: {  	s1 =	sld [smem:$0x3F93];
	s0 =	simm.s32 @p0 $0x1  }
0x13: {  	[smem:$0x3FAE] =	sst s0;
	s0 =	simm.s32 @!p1 $0x0  }
0x14: {  	s2 =	sld [smem:$0x3F92];
	s0 =	simm.s32 @p1 $0x1  }
0x15: {  	[smem:$0x3FAF] =	sst s0;
	s0 =	simm.s32 @!p2 $0x0  }
0x16: {  	s3 =	sld [smem:$0x3FDB];
	s0 =	simm.s32 @p2 $0x1  }
0x17: {  	s4 =	simm.s32 $0x1BF5;
	[smem:$0x3FB1] =	sst s0  }
0x18: {  	s0 =	sld [smem:$0x3F94];
	_ =	swait.ge [sflag:s4], $0x0  }
0x19: {  	s7 =	sld [smem:$0x3F95]  }
0x1a: {  	s8 =	sadd.s32 $0xFFFFE003, lr  }
0x1b: {  	s9 =	sadd.s32 $0xFFFFFEF7, lr;
	s5 =	simm.s32 $0xFFFFFFFF;
	p2 =	slt.u32 s8, $0xFFFFF086  }
0x1c: {  	p1 =	slt.u32 s9, $0xF7A;
	s5 =	simm.s32 @!p2 $0x0  }
0x1d: {  	s5 =	simm.s32 @p1 $0x1;
	p0 =	seq.s32 s7, s2  }
0x1e: {  	s7 =	smul.u32 @!p0 $0xF7A, s2;
	p2 =	seq.s32 @!p0 s5, $0x0  }
0x1f: {  	s9 =	smul.u32 $0xF7A, s1;
	s8 =	simm.s32 @!p0 $0x1BF5;
	p2 =	por !p2, p0  }
0x20: {  	[sflag:s8] =	ssyncset.s32 @!p0 $0xFFFFF086;
	s6 =	sadd.s32 @!p0 s3, s7;
	s7 =	simm.s32 @!p0 $0x108  }
0x21: {  	s3 =	sadd.s32 s3, s9;
	s6 =	sadd.s32 @!p0 $0x88, s6;
	s7 =	simm.s32 @p2 $0x1082  }
0x22: {  	[simem:s7], [sflag:s8] =	dma.local @!p0 [hbm:s6], $0xF7A  }
0x23: {  	s9 =	sor.u32 $0xD0000000, s2;
	s6 =	simm.s32 $0x108;
	_ =	swait.ge @!p0 [sflag:s8], $0x0  }
0x24: {  	s3 =	sadd.s32 $0x88, s3;
	s6 =	simm.s32 @!p1 $0x1082;
	[sflag:s4] =	ssyncset.s32 $0xFFFFF086  }
0x25: {  	[simem:s6], [sflag:s4] =	dma.local [hbm:s3], $0xF7A  }
0x26: {  	[smem:$0x3F95] =	sst s1;
	(tag) =	ssettag s2;
	_ =	strace s9  }
0x27: {  	s1 =	sld [smem:$0x3FA5]  }
0x28: {  	s2 =	sld [smem:$0x3FA6]  }
0x29: {  	s4 =	sld [smem:$0x3FA8]  }
0x2a: {  	p0 =	seq.s32 s5, $0x0;
	s5 =	sld [smem:$0x3FA9]  }
0x2b: {  	s6 =	sld [smem:$0x3FAA]  }
0x2c: {  	s7 =	sld [smem:$0x3FAB]  }
0x2d: {  	s3 =	simm.s32 $0x108;
	s8 =	sld [smem:$0x3FAC]  }
0x2e: {  	s3 =	simm.s32 @!p0 $0x1082;
	s9 =	sld [smem:$0x3FAD]  }
0x2f: {  	lr =	sadd.s32 s0, s3;
	s0 =	sld [smem:$0x3FA4]  }
0x30: {  	s3 =	sld [smem:$0x3FA7]  }
0x31: {  	[smem:$0x3FB0] =	sst s10  }
0x32: {  	s10 =	sld [smem:$0x3FAE];
	_ =	sdelay $0x3  }
0x33: {  	p0 =	seq.s32 s10, $0x1;
	s10 =	sld [smem:$0x3FB0];
	_ =	sdelay $0x3  }
0x34: {  	[smem:$0x3FB0] =	sst s10  }
0x35: {  	s10 =	sld [smem:$0x3FAF];
	_ =	sdelay $0x3  }
0x36: {  	p1 =	seq.s32 s10, $0x1;
	s10 =	sld [smem:$0x3FB0];
	_ =	sdelay $0x3  }
0x37: {  	[smem:$0x3FB0] =	sst s10  }
0x38: {  	s10 =	sld [smem:$0x3FB1]  }
0x39: {  	_ = 	snop;
	(pc) =	sbr.ind lr, $3  }
0x3a: {  	_ = 	snop  }
0x3b: {  	_ = 	snop  }
0x3c: {  	p2 =	seq.s32 s10, $0x1;
	s10 =	sld [smem:$0x3FB0]  }
0x3d: {  	_ =	shalt  }
0x3e: {  	_ =	shalt  }
0x3f: {  	_ =	shalt  }
0x40: {  	_ =	shalt  }
0x41: {  	_ =	shalt  }
0x42: {  	_ =	shalt  }
0x43: {  	_ =	shalt  }
0x44: {  	_ =	shalt  }
0x45: {  	_ =	shalt  }
0x46: {  	_ =	shalt  }
0x47: {  	_ =	shalt  }
0x48: {  	_ =	shalt  }
0x49: {  	_ =	shalt  }
0x4a: {  	_ =	shalt  }
0x4b: {  	_ =	shalt  }
0x4c: {  	_ =	shalt  }
0x4d: {  	_ =	shalt  }
0x4e: {  	_ =	shalt  }
0x4f: {  	_ =	shalt  }
0x50: {  	_ =	shalt  }
0x51: {  	_ =	shalt  }
0x52: {  	_ =	shalt  }
0x53: {  	_ =	shalt  }
0x54: {  	_ =	shalt  }
0x55: {  	_ =	shalt  }
0x56: {  	_ =	shalt  }
0x57: {  	_ =	shalt  }
0x58: {  	_ =	shalt  }
0x59: {  	_ =	shalt  }
0x5a: {  	_ =	shalt  }
0x5b: {  	_ =	shalt  }
0x5c: {  	_ =	shalt  }
0x5d: {  	_ =	shalt  }
0x5e: {  	_ =	shalt  }
0x5f: {  	_ =	shalt  }
0x60: {  	_ =	shalt  }
0x61: {  	_ =	shalt  }
0x62: {  	_ =	shalt  }
0x63: {  	_ =	shalt  }
0x64: {  	_ =	shalt  }
0x65: {  	_ =	shalt  }
0x66: {  	_ =	shalt  }
0x67: {  	_ =	shalt  }
0x68: {  	_ =	shalt  }
0x69: {  	_ =	shalt  }
0x6a: {  	_ =	shalt  }
0x6b: {  	_ =	shalt  }
0x6c: {  	_ =	shalt  }
0x6d: {  	_ =	shalt  }
0x6e: {  	_ =	shalt  }
0x6f: {  	_ =	shalt  }
0x70: {  	_ =	shalt  }
0x71: {  	_ =	shalt  }
0x72: {  	_ =	shalt  }
0x73: {  	_ =	shalt  }
0x74: {  	_ =	shalt  }
0x75: {  	_ =	shalt  }
0x76: {  	_ =	shalt  }
0x77: {  	_ =	shalt  }
0x78: {  	_ =	shalt  }
0x79: {  	_ =	shalt  }
0x7a: {  	_ =	shalt  }
0x7b: {  	_ =	shalt  }
0x7c: {  	_ =	shalt  }
0x7d: {  	_ =	shalt  }
0x7e: {  	_ =	shalt  }
0x7f: {  	_ =	shalt  }
0x80: {  	_ =	shalt  }
0x81: {  	_ =	shalt  }
0x82: {  	_ =	shalt  }
0x83: {  	_ =	shalt  }
0x84: {  	_ =	shalt  }
0x85: {  	_ =	shalt  }
0x86: {  	_ =	shalt  }
0x87: {  	_ =	shalt  }
.Lfunc_end0:
.L_simem_size_0:
called_computation.1_lowered:
.L_overlay_start_0:
0x88: {  	s2 =	sld [smem:$0x3FD9]  }
0x89: {  	s3 =	sld [smem:$0x3FFE];
	_ =	sdelay $0x1  }
0x8a: {  	s1 =	srdreg.scid  }
0x8b: {  	s0 =	sand.u32 $0x1, s1  }
0x8c: {  	s16 =	sshll.u32 s0, $0xA;
	s2 =	sadd.s32 s3, s2  }
0x8d: {  	s2 =	sadd.s32 s2, s16  }
0x8e: {  	[smem:$0x3FBC] =	sst s2  }
0x8f: {  	_ = 	snop  }
0x90: {  	(tm) =	ssettm $0x1  }
0x91: {  	s17 =	sld [smem:$0x3FFB];
	_ =	sdelay $0x3  }
0x92: {  	_ =	strace s17  }
0x93: {  	s2 =	sld [smem:$0x3FFC];
	_ =	sdelay $0x3  }
0x94: {  	_ =	strace s2  }
0x95: {  	s2 =	sld [smem:$0x3FFD];
	_ =	sdelay $0x3  }
0x96: {  	_ =	strace s2  }
0x97: {  	_ =	strace $0x8FFFFFFF  }
0x98: {  	s18 =	sld [smem:$0x3FDB];
	_ =	sdelay $0x1  }
0x99: {  	s19 =	simm.s32 $_scs_section_size  }
0x9a: {  	s4 =	simm.s32 $_size__tile_overlayer_lowered;
	s5 =	simm.s32 $_tile_overlayer_lowered  }
0x9b: {  	s22 =	simm.s32 $0x1BFF;
	s21 =	sshll.u32 s5, $0x1;
	s2 =	sadd.s32 s19, s18  }
0x9c: {  	s6 =	simm.s32 $0x0;
	s20 =	sshll.u32 s4, $0x1;
	s4 =	sadd.s32 s21, s2  }
0x9d: {  	[timem:s6], [sflag:s22] =	dma.local [hbm:s4], s20  }
0x9e: {  	_ =	swait.ge [sflag:s22], s20  }
0x9f: {  	s3 =	ssub.s32 $0x0, s20;
	[sflag:s22] =	ssyncset.done $0x0  }
0xa0: {  	[sflag:s22] =	ssyncadd.s32 s3;
	_ =	sdelay $0x1  }
0xa1: {  	s23 =	simm.s32 $0x1B8B  }
0xa2: {  	_ =	swait.ge [sflag:s23], $0x1  }
0xa3: {  	[sflag:s23] =	ssyncset.done $0x0  }
0xa4: {  	s25 =	simm.s32 $0x1B8E;
	s24 =	sld [smem:$0x3FFE];
	[sflag:s23] =	ssyncadd.s32 $0xFFFFFFFF  }
0xa5: {  	s26 =	simm.s32 $execute0_lowered;
	[smem:$0x3FD2] =	sst s25  }
0xa6: {  	s4 =	sshll.u32 s26, $0x1;
	_ =	strace $0x80000046;
	[dreg:$0x1] =	wrdreg $0xFFFFFFFF  }
0xa7: {  	s28 =	simm.s32 $_size_execute0_lowered;
	s2 =	sadd.s32 s2, s4;
	[dreg:$0x0] =	wrdreg $0x0  }
0xa8: {  	s4 =	sshll.u32 s28, $0x1;
	[dreg:$0x2] =	wrdreg s2  }
0xa9: {  	[dreg:$0x3] =	wrdreg s4  }
0xaa: {  	[dreg:$0x4] =	wrdreg $0xC0  }
0xab: {  	_ =	task [dreg:s6], $0x5FFFF  }
0xac: {  	[dreg:$0x1] =	wrdreg $0xFFFFFFFF  }
0xad: {  	[dreg:$0x0] =	wrdreg $0x60  }
0xae: {  	[dreg:$0x2] =	wrdreg s24  }
0xaf: {  	[dreg:$0x3] =	wrdreg $0xA  }
0xb0: {  	_ =	task.clear_ibuf [dreg:s6], $0x4FFFF;
	_ =	strace $0x90000046  }
0xb1: {  	s29 =	simm.s32 $0xA;
	_ =	strace $0x80000048  }
0xb2: {  	_ =	swait.ge [sflag:s29], $0x1  }
0xb3: {  	[sflag:s29] =	ssyncadd.s32 $0xFFFFFFFF  }
0xb4: {  	_ =	strace $0x90000048  }
0xb5: {  	_ =	sfence  }
0xb6: {  	s30 =	sld [smem:$0x0];
	_ =	sdelay $0x2  }
0xb7: {  	s31 =	sshll.u32 s1, $0xD;
	s1 =	sshrl.u32 s1, $0x2  }
0xb8: {  	s3 =	sand.u32 $0x4000, s31;
	s1 =	sadd.s32 s1, s30  }
0xb9: {  	s0 =	sor.u32 s3, s0;
	s1 =	sshll.u32 s1, $0x11  }
0xba: {  	s0 =	sor.u32 s1, s0  }
0xbb: {  	s0 =	sadd.s32 $0x8F2B, s0  }
0xbc: {  	[sflag:s0] =	ssyncadd.remote.s32 $0x1  }
0xbd: {  	_ =	sfence.sel $0xFFFF  }
0xbe: {  	[dreg:$0x0] =	wrdreg $0xFFFFFFFF;
	(pc) =	sbr.abs _section_cstart, $3  }
0xbf: {  	[dreg:$0x1] =	wrdreg $0xFFFFFFFF  }
0xc0: {  	_ =	task.clear_ibuf [dreg:s6], $0x2FFFF;
	_ =	strace $0x9FFFFFFF  }
0xc1: {  	(tm) =	ssettm $0x7FFFFFFF  }
tec
execute0_lowered:
.L_overlay_start_1:
0x0: {  	(tag) =	ssettag $0x1  }
0x1: {  	s0 =	srdreg.scid  }
0x2: {  	s9 =	stileid.u32;
	s4 =	rddreg [dreg:$0x0];
	s10 =	simm.s32 $0x3  }
0x3: {  	s11 =	simm.s32 $0x600;
	s28 =	simm.s32 $0x8600;
	s29 =	simm.s32 $0x8E00  }
0x4: {  	s30 =	simm.s32 $0x9600;
	s31 =	simm.s32 $0x9E00;
	s12 =	simm.s32 $0xD600  }
0x5: {  	s13 =	simm.s32 $0xDE00;
	s14 =	simm.s32 $0xE600;
	s15 =	simm.s32 $0xEE00  }
0x6: {  	s16 =	simm.s32 $0xF600;
	s17 =	simm.s32 $0xFE00;
	s18 =	simm.s32 $0x1  }
0x7: {  	s19 =	simm.s32 $0x2;
	s21 =	simm.s32 $0x0;
	s7 =	smul.u32 $0xC, s9  }
0x8: {  	s0 =	sand.u32 $0x1, s0;
	s2 =	sshll.u32 s9, $0x7;
	s23 =	smul.u32 $0xC000, s9  }
0x9: {  	s1 =	sshll.u32 s0, $0x4;
	s3 =	sand.u32 $0x380, s2;
	s5 =	smul.u32 $0xC0, s0  }
0xa: {  	s2 =	simm.s32 $0x0;
	s6 =	ssub.s32 $0x2, s0;
	s0 =	smul.u32 $0xC0000, s0  }
0xb: {  	s1 =	sor.u32 s9, s1;
	[smem:$0x7FF] =	sst s2;
	s8 =	sshrl.u32 s6, $0x1  }
0xc: {  	s9 =	simm.s32 $0xBE00;
	s1 =	sshrl.u32 s1, $0x3;
	_ =	strace $0x80000047  }
0xd: {  	s6 =	ssub.s32 s6, s8;
	s5 =	sadd.s32 s7, s5;
	s1 =	smul.u32 $0x3000, s1  }
0xe: {  	s8 =	simm.s32 $0xB600;
	s24 =	sshll.u32 s5, $0xC;
	s25 =	smax.u32 s6, $0x1  }
0xf: {  	s5 =	simm.s32 $0xCE00;
	[dreg:$0x3] =	wrdreg s25;
	s1 =	sor.u32 s3, s1  }
0x10: {  	s25 =	simm.s32 $0x7600;
	s3 =	sadd.s32 $0x3200, s4;
	s1 =	sshrl.u32 s1, $0x3  }
.Ltmp0:
0x11: {  	s1 =	sadd.s32 s1, s4;
	s4 =	sadd.s32 $0x44A00, s4;
	(pc) =	sbr.rel .LBB2_1-.Ltmp0, $4  }
0x12: {  	s1 =	sadd.s32 $0x43200, s1;
	s0 =	sadd.s32 s0, s4;
	s26 =	sadd.s32 s24, s4  }
0x13: {  	v2 =	vlaneseq.u32;
	s24 =	simm.s32 $0x6E00;
	s4 =	simm.s32 $0xC600;
	[dreg:$0x2] =	wrdreg s1  }
0x14: {  	vm0 =	vmmov $0xffff;
	v1 =	vshrl.u32 v2, $0x3;
	s6 =	sadd.s32 s23, s0;
	s7 =	sadd.s32 $0x1000, s26;
	s23 =	simm.s32 $0x6600  }
0x15: {  	v0 =	vand.u32 $0x7, v2;
	v2 =	vor.u32 $0x8, v2;
	v1 =	vmul.u32 $0x8, v1;
	s26 =	simm.s32 $0x7E00;
	s1 =	simm.s32 $0xA600;
	s0 =	simm.s32 $0xAE00  }
.LBB2_5:
0x16: {  	s21 =	rddreg [dreg:$0x4]  }
0x17: {  	s20 =	rddreg [dreg:$0x3];
	s21 =	sadd.s32 $0x1, s21  }
0x18: {  	p0 =	sne.s32 s21, s20  }
.Ltmp1:
0x19: {  	_ = 	snop;
	(pc) =	sbr.rel @!p0 .LBB2_6-.Ltmp1, $1  }
0x1a: {  	_ =	sdelay $0x3  }
.LBB2_1:
0x1b: {  	[dreg:$0x4] =	wrdreg s21  }
0x1c: {  	s20 =	rddreg [dreg:$0x2];
	s21 =	simm.s32 $0x80;
	s22 =	simm.s32 $0x400  }
0x1d: {  	[tilespmem:s2], [sflag:$0x3] =	stream.strided.gather [hbm4b:s20+s21], $0x600, s22, s21, $0x38;
	[tilespmem:$0x10600] =	vst v63  }
0x1e: {  	_ =	swait.ge [sflag:s10], $0x600  }
0x1f: {  	[sflag:s10] =	ssyncset.done $0x0  }
0x20: {  	[sflag:s10] =	ssyncadd.s32 $0xFFFFFA00  }
0x21: {  	v3 =	vld [tilespmem:$0x0];
	_ =	sdelay $0x4  }
0x22: {  	v4 =	vshll.u32 v3, $0x1  }
0x23: {  	v3 =	vand.u32 $0x7, v3;
	v4 =	vand.u32 $0xFFFFFFF0, v4  }
0x24: {  	v3 =	vor.u32 v3, v4  }
0x25: {  	v4 =	vperm.xlane v3, v0;
	_ =	sdelay $0x1  }
0x26: {  	v3 =	vperm.xlane v3, v2;
	v4 =	vadd.s32 v1, v4;
	_ =	sdelay $0x1  }
0x27: {  	v3 =	vadd.s32 v1, v3;
	_ =	sdelay $0x2  }
0x28: {  	[tilespmem:s11], [sflag:$0x1] =	stream.indirect_vreg.gather [hbm4b:s3+s2], $0x80, v4, vm0, $0xb8;
	[tilespmem:$0x10600] =	vst v63  }
0x29: {  	s22 =	simm.s32 $0xE00  }
0x2a: {  	[tilespmem:s22], [sflag:$0x1] =	stream.indirect_vreg.gather [hbm4b:s3+s2], $0x80, v3, vm0, $0xb8;
	[tilespmem:$0x10600] =	vst v63  }
0x2b: {  	v3 =	vld [tilespmem:$0x10];
	_ =	sdelay $0x4  }
0x2c: {  	v57 =	vshll.u32 v3, $0x1  }
0x2d: {  	v3 =	vand.u32 $0x7, v3;
	v4 =	vand.u32 $0xFFFFFFF0, v57  }
0x2e: {  	v3 =	vor.u32 v3, v4  }
0x2f: {  	v4 =	vperm.xlane v3, v0;
	_ =	sdelay $0x1  }
0x30: {  	v3 =	vperm.xlane v3, v2;
	v4 =	vadd.s32 v1, v4;
	_ =	sdelay $0x1  }
0x31: {  	v3 =	vadd.s32 v1, v3;
	_ =	sdelay $0x1  }
0x32: {  	s21 =	simm.s32 $0x1600  }
0x33: {  	[tilespmem:s21], [sflag:$0x1] =	stream.indirect_vreg.gather [hbm4b:s3+s2], $0x80, v4, vm0, $0xb8;
	[tilespmem:$0x10600] =	vst v63  }
0x34: {  	s22 =	simm.s32 $0x1E00  }
0x35: {  	[tilespmem:s22], [sflag:$0x1] =	stream.indirect_vreg.gather [hbm4b:s3+s2], $0x80, v3, vm0, $0xb8;
	[tilespmem:$0x10600] =	vst v63  }
0x36: {  	v3 =	vld [tilespmem:$0x20];
	_ =	sdelay $0x4  }
0x37: {  	v58 =	vshll.u32 v3, $0x1  }
0x38: {  	v3 =	vand.u32 $0x7, v3;
	v4 =	vand.u32 $0xFFFFFFF0, v58  }
0x39: {  	v3 =	vor.u32 v3, v4  }
0x3a: {  	v4 =	vperm.xlane v3, v0;
	_ =	sdelay $0x1  }
0x3b: {  	v3 =	vperm.xlane v3, v2;
	v4 =	vadd.s32 v1, v4;
	_ =	sdelay $0x1  }
0x3c: {  	v3 =	vadd.s32 v1, v3;
	_ =	sdelay $0x1  }
0x3d: {  	s21 =	simm.s32 $0x2600  }
0x3e: {  	[tilespmem:s21], [sflag:$0x1] =	stream.indirect_vreg.gather [hbm4b:s3+s2], $0x80, v4, vm0, $0xb8;
	[tilespmem:$0x10600] =	vst v63  }
0x3f: {  	s22 =	simm.s32 $0x2E00  }
0x40: {  	[tilespmem:s22], [sflag:$0x1] =	stream.indirect_vreg.gather [hbm4b:s3+s2], $0x80, v3, vm0, $0xb8;
	[tilespmem:$0x10600] =	vst v63  }
0x41: {  	v3 =	vld [tilespmem:$0x30];
	_ =	sdelay $0x4  }
0x42: {  	v59 =	vshll.u32 v3, $0x1  }
0x43: {  	v3 =	vand.u32 $0x7, v3;
	v4 =	vand.u32 $0xFFFFFFF0, v59  }
0x44: {  	v3 =	vor.u32 v3, v4  }
0x45: {  	v4 =	vperm.xlane v3, v0;
	_ =	sdelay $0x1  }
0x46: {  	v3 =	vperm.xlane v3, v2;
	v4 =	vadd.s32 v1, v4;
	_ =	sdelay $0x1  }
0x47: {  	v3 =	vadd.s32 v1, v3;
	_ =	sdelay $0x1  }
0x48: {  	s21 =	simm.s32 $0x3600  }
0x49: {  	[tilespmem:s21], [sflag:$0x1] =	stream.indirect_vreg.gather [hbm4b:s3+s2], $0x80, v4, vm0, $0xb8;
	[tilespmem:$0x10600] =	vst v63  }
0x4a: {  	s22 =	simm.s32 $0x3E00  }
0x4b: {  	[tilespmem:s22], [sflag:$0x1] =	stream.indirect_vreg.gather [hbm4b:s3+s2], $0x80, v3, vm0, $0xb8;
	[tilespmem:$0x10600] =	vst v63  }
0x4c: {  	v3 =	vld [tilespmem:$0x40];
	_ =	sdelay $0x4  }
0x4d: {  	v60 =	vshll.u32 v3, $0x1  }
0x4e: {  	v3 =	vand.u32 $0x7, v3;
	v4 =	vand.u32 $0xFFFFFFF0, v60  }
0x4f: {  	v3 =	vor.u32 v3, v4  }
0x50: {  	v4 =	vperm.xlane v3, v0;
	_ =	sdelay $0x1  }
0x51: {  	v3 =	vperm.xlane v3, v2;
	v4 =	vadd.s32 v1, v4;
	_ =	sdelay $0x1  }
0x52: {  	v3 =	vadd.s32 v1, v3;
	_ =	sdelay $0x1  }
0x53: {  	s21 =	simm.s32 $0x4600  }
0x54: {  	[tilespmem:s21], [sflag:$0x1] =	stream.indirect_vreg.gather [hbm4b:s3+s2], $0x80, v4, vm0, $0xb8;
	[tilespmem:$0x10600] =	vst v63  }
0x55: {  	s22 =	simm.s32 $0x4E00  }
0x56: {  	[tilespmem:s22], [sflag:$0x1] =	stream.indirect_vreg.gather [hbm4b:s3+s2], $0x80, v3, vm0, $0xb8;
	[tilespmem:$0x10600] =	vst v63  }
0x57: {  	v3 =	vld [tilespmem:$0x50];
	_ =	sdelay $0x4  }
0x58: {  	v61 =	vshll.u32 v3, $0x1  }
0x59: {  	v3 =	vand.u32 $0x7, v3;
	v4 =	vand.u32 $0xFFFFFFF0, v61  }
0x5a: {  	v3 =	vor.u32 v3, v4  }
0x5b: {  	v4 =	vperm.xlane v3, v0;
	_ =	sdelay $0x1  }
0x5c: {  	v3 =	vperm.xlane v3, v2;
	v4 =	vadd.s32 v1, v4;
	_ =	sdelay $0x1  }
0x5d: {  	v3 =	vadd.s32 v1, v3;
	_ =	sdelay $0x1  }
0x5e: {  	s21 =	simm.s32 $0x5600  }
0x5f: {  	[tilespmem:s21], [sflag:$0x1] =	stream.indirect_vreg.gather [hbm4b:s3+s2], $0x80, v4, vm0, $0xb8;
	[tilespmem:$0x10600] =	vst v63  }
0x60: {  	s22 =	simm.s32 $0x5E00  }
0x61: {  	[tilespmem:s22], [sflag:$0x1] =	stream.indirect_vreg.gather [hbm4b:s3+s2], $0x80, v3, vm0, $0xb8;
	[tilespmem:$0x10600] =	vst v63  }
0x62: {  	v3 =	vld [tilespmem:$0x60];
	_ =	sdelay $0x4  }
0x63: {  	v62 =	vshll.u32 v3, $0x1  }
0x64: {  	v3 =	vand.u32 $0x7, v3;
	v4 =	vand.u32 $0xFFFFFFF0, v62  }
0x65: {  	v3 =	vor.u32 v3, v4  }
0x66: {  	v4 =	vperm.xlane v3, v0;
	_ =	sdelay $0x1  }
0x67: {  	v3 =	vperm.xlane v3, v2;
	v4 =	vadd.s32 v1, v4;
	_ =	sdelay $0x1  }
0x68: {  	v3 =	vadd.s32 v1, v3;
	_ =	sdelay $0x2  }
0x69: {  	[tilespmem:s23], [sflag:$0x1] =	stream.indirect_vreg.gather [hbm4b:s3+s2], $0x80, v4, vm0, $0xb8;
	[tilespmem:$0x10600] =	vst v63  }
0x6a: {  	_ = 	snop  }
0x6b: {  	[tilespmem:s24], [sflag:$0x1] =	stream.indirect_vreg.gather [hbm4b:s3+s2], $0x80, v3, vm0, $0xb8;
	[tilespmem:$0x10600] =	vst v63  }
0x6c: {  	v3 =	vld [tilespmem:$0x70];
	_ =	sdelay $0x4  }
0x6d: {  	v63 =	vshll.u32 v3, $0x1  }
0x6e: {  	v3 =	vand.u32 $0x7, v3;
	v4 =	vand.u32 $0xFFFFFFF0, v63  }
0x6f: {  	v3 =	vor.u32 v3, v4  }
0x70: {  	v4 =	vperm.xlane v3, v0;
	_ =	sdelay $0x1  }
0x71: {  	v3 =	vperm.xlane v3, v2;
	v4 =	vadd.s32 v1, v4;
	_ =	sdelay $0x1  }
0x72: {  	v3 =	vadd.s32 v1, v3  }
.Ltmp2:
0x73: {  	_ = 	snop;
	(pc) =	sbr.rel .LBB2_2-.Ltmp2, $4  }
0x74: {  	_ = 	snop  }
0x75: {  	[tilespmem:s25], [sflag:$0x1] =	stream.indirect_vreg.gather [hbm4b:s3+s2], $0x80, v4, vm0, $0xb8;
	[tilespmem:$0x10600] =	vst v63  }
0x76: {  	s20 =	simm.s32 $0xC0;
	s21 =	simm.s32 $0x0  }
0x77: {  	[tilespmem:s26], [sflag:$0x1] =	stream.indirect_vreg.gather [hbm4b:s3+s2], $0x80, v3, vm0, $0xb8;
	[tilespmem:$0x10600] =	vst v63  }
.LBB2_4:
0x78: {  	_ =	swait.ge [sflag:s19], $0x8000;
	s22 =	sadd.s32 s21, s7;
	s21 =	sadd.s32 $0x2000, s21  }
0x79: {  	[sflag:s19] =	ssyncset.done $0x0;
	p0 =	sne.s32 s21, $0xC000  }
.Ltmp3:
0x7a: {  	[sflag:s19] =	ssyncadd.s32 $0xFFFF8000;
	(pc) =	sbr.rel @!p0 .LBB2_5-.Ltmp3, $4  }
0x7b: {  	[hbm4b:s22+s2] =	stream.linear.scatter [tilespmem:s28], [sflag:$0x3], $0x8000, $0x38;
	[tilespmem:$0x10600] =	vst v63  }
0x7c: {  	_ =	swait.ge [sflag:s10], $0x8000  }
0x7d: {  	[sflag:s10] =	ssyncset.done $0x0  }
0x7e: {  	s20 =	sadd.s32 $0x100, s20;
	[sflag:s10] =	ssyncadd.s32 $0xFFFF8000  }
.LBB2_2:
0x7f: {  	v3 =	vld [tilespmem:s20+$0xFFFFFFC0];
	_ =	sdelay $0x4  }
0x80: {  	v4 =	vshll.u32 v3, $0x1  }
0x81: {  	v3 =	vand.u32 $0x7, v3;
	v4 =	vand.u32 $0xFFFFFFF0, v4  }
0x82: {  	v3 =	vor.u32 v3, v4  }
0x83: {  	v4 =	vperm.xlane v3, v0;
	_ =	sdelay $0x1  }
0x84: {  	v3 =	vperm.xlane v3, v2;
	v4 =	vadd.s32 v1, v4;
	_ =	sdelay $0x1  }
0x85: {  	v3 =	vadd.s32 v1, v3;
	_ =	sdelay $0x2  }
0x86: {  	[tilespmem:s28], [sflag:$0x2] =	stream.indirect_vreg.gather [hbm4b:s3+s2], $0x80, v4, vm0, $0xb8;
	[tilespmem:$0x10600] =	vst v63  }
0x87: {  	_ = 	snop  }
0x88: {  	[tilespmem:s29], [sflag:$0x2] =	stream.indirect_vreg.gather [hbm4b:s3+s2], $0x80, v3, vm0, $0xb8;
	[tilespmem:$0x10600] =	vst v63  }
0x89: {  	v3 =	vld [tilespmem:s20+$0xFFFFFFD0];
	_ =	sdelay $0x4  }
0x8a: {  	v57 =	vshll.u32 v3, $0x1  }
0x8b: {  	v3 =	vand.u32 $0x7, v3;
	v4 =	vand.u32 $0xFFFFFFF0, v57  }
0x8c: {  	v3 =	vor.u32 v3, v4  }
0x8d: {  	v4 =	vperm.xlane v3, v0;
	_ =	sdelay $0x1  }
0x8e: {  	v3 =	vperm.xlane v3, v2;
	v4 =	vadd.s32 v1, v4;
	_ =	sdelay $0x1  }
0x8f: {  	v3 =	vadd.s32 v1, v3;
	_ =	sdelay $0x2  }
0x90: {  	[tilespmem:s30], [sflag:$0x2] =	stream.indirect_vreg.gather [hbm4b:s3+s2], $0x80, v4, vm0, $0xb8;
	[tilespmem:$0x10600] =	vst v63  }
0x91: {  	_ = 	snop  }
0x92: {  	[tilespmem:s31], [sflag:$0x2] =	stream.indirect_vreg.gather [hbm4b:s3+s2], $0x80, v3, vm0, $0xb8;
	[tilespmem:$0x10600] =	vst v63  }
0x93: {  	v3 =	vld [tilespmem:s20+$0xFFFFFFE0];
	_ =	sdelay $0x4  }
0x94: {  	v58 =	vshll.u32 v3, $0x1  }
0x95: {  	v3 =	vand.u32 $0x7, v3;
	v4 =	vand.u32 $0xFFFFFFF0, v58  }
0x96: {  	v3 =	vor.u32 v3, v4  }
0x97: {  	v4 =	vperm.xlane v3, v0;
	_ =	sdelay $0x1  }
0x98: {  	v3 =	vperm.xlane v3, v2;
	v4 =	vadd.s32 v1, v4;
	_ =	sdelay $0x1  }
0x99: {  	v3 =	vadd.s32 v1, v3;
	_ =	sdelay $0x2  }
0x9a: {  	[tilespmem:s1], [sflag:$0x2] =	stream.indirect_vreg.gather [hbm4b:s3+s2], $0x80, v4, vm0, $0xb8;
	[tilespmem:$0x10600] =	vst v63  }
0x9b: {  	_ = 	snop  }
0x9c: {  	[tilespmem:s0], [sflag:$0x2] =	stream.indirect_vreg.gather [hbm4b:s3+s2], $0x80, v3, vm0, $0xb8;
	[tilespmem:$0x10600] =	vst v63  }
0x9d: {  	v3 =	vld [tilespmem:s20+$0xFFFFFFF0];
	_ =	sdelay $0x4  }
0x9e: {  	v59 =	vshll.u32 v3, $0x1  }
0x9f: {  	v3 =	vand.u32 $0x7, v3;
	v4 =	vand.u32 $0xFFFFFFF0, v59  }
0xa0: {  	v3 =	vor.u32 v3, v4  }
0xa1: {  	v4 =	vperm.xlane v3, v0;
	_ =	sdelay $0x1  }
0xa2: {  	v3 =	vperm.xlane v3, v2;
	v4 =	vadd.s32 v1, v4;
	_ =	sdelay $0x1  }
0xa3: {  	v3 =	vadd.s32 v1, v3;
	_ =	sdelay $0x2  }
0xa4: {  	[tilespmem:s8], [sflag:$0x2] =	stream.indirect_vreg.gather [hbm4b:s3+s2], $0x80, v4, vm0, $0xb8;
	[tilespmem:$0x10600] =	vst v63  }
0xa5: {  	_ = 	snop  }
0xa6: {  	[tilespmem:s9], [sflag:$0x2] =	stream.indirect_vreg.gather [hbm4b:s3+s2], $0x80, v3, vm0, $0xb8;
	[tilespmem:$0x10600] =	vst v63  }
0xa7: {  	v3 =	vld [tilespmem:s20+$0x0];
	_ =	sdelay $0x4  }
0xa8: {  	v60 =	vshll.u32 v3, $0x1  }
0xa9: {  	v3 =	vand.u32 $0x7, v3;
	v4 =	vand.u32 $0xFFFFFFF0, v60  }
0xaa: {  	v3 =	vor.u32 v3, v4  }
0xab: {  	v4 =	vperm.xlane v3, v0;
	_ =	sdelay $0x1  }
0xac: {  	v3 =	vperm.xlane v3, v2;
	v4 =	vadd.s32 v1, v4;
	_ =	sdelay $0x1  }
0xad: {  	v3 =	vadd.s32 v1, v3;
	_ =	sdelay $0x2  }
0xae: {  	[tilespmem:s4], [sflag:$0x2] =	stream.indirect_vreg.gather [hbm4b:s3+s2], $0x80, v4, vm0, $0xb8;
	[tilespmem:$0x10600] =	vst v63  }
0xaf: {  	_ = 	snop  }
0xb0: {  	[tilespmem:s5], [sflag:$0x2] =	stream.indirect_vreg.gather [hbm4b:s3+s2], $0x80, v3, vm0, $0xb8;
	[tilespmem:$0x10600] =	vst v63  }
0xb1: {  	v3 =	vld [tilespmem:s20+$0x10];
	_ =	sdelay $0x4  }
0xb2: {  	v61 =	vshll.u32 v3, $0x1  }
0xb3: {  	v3 =	vand.u32 $0x7, v3;
	v4 =	vand.u32 $0xFFFFFFF0, v61  }
0xb4: {  	v3 =	vor.u32 v3, v4  }
0xb5: {  	v4 =	vperm.xlane v3, v0;
	_ =	sdelay $0x1  }
0xb6: {  	v3 =	vperm.xlane v3, v2;
	v4 =	vadd.s32 v1, v4;
	_ =	sdelay $0x1  }
0xb7: {  	v3 =	vadd.s32 v1, v3;
	_ =	sdelay $0x2  }
0xb8: {  	[tilespmem:s12], [sflag:$0x2] =	stream.indirect_vreg.gather [hbm4b:s3+s2], $0x80, v4, vm0, $0xb8;
	[tilespmem:$0x10600] =	vst v63  }
0xb9: {  	_ = 	snop  }
0xba: {  	[tilespmem:s13], [sflag:$0x2] =	stream.indirect_vreg.gather [hbm4b:s3+s2], $0x80, v3, vm0, $0xb8;
	[tilespmem:$0x10600] =	vst v63  }
0xbb: {  	v3 =	vld [tilespmem:s20+$0x20];
	_ =	sdelay $0x4  }
0xbc: {  	v62 =	vshll.u32 v3, $0x1  }
0xbd: {  	v3 =	vand.u32 $0x7, v3;
	v4 =	vand.u32 $0xFFFFFFF0, v62  }
0xbe: {  	v3 =	vor.u32 v3, v4  }
0xbf: {  	v4 =	vperm.xlane v3, v0;
	_ =	sdelay $0x1  }
0xc0: {  	v3 =	vperm.xlane v3, v2;
	v4 =	vadd.s32 v1, v4;
	_ =	sdelay $0x1  }
0xc1: {  	v3 =	vadd.s32 v1, v3;
	_ =	sdelay $0x2  }
0xc2: {  	[tilespmem:s14], [sflag:$0x2] =	stream.indirect_vreg.gather [hbm4b:s3+s2], $0x80, v4, vm0, $0xb8;
	[tilespmem:$0x10600] =	vst v63  }
0xc3: {  	_ = 	snop  }
0xc4: {  	[tilespmem:s15], [sflag:$0x2] =	stream.indirect_vreg.gather [hbm4b:s3+s2], $0x80, v3, vm0, $0xb8;
	[tilespmem:$0x10600] =	vst v63  }
0xc5: {  	v3 =	vld [tilespmem:s20+$0x30];
	_ =	sdelay $0x4  }
0xc6: {  	v63 =	vshll.u32 v3, $0x1  }
0xc7: {  	v3 =	vand.u32 $0x7, v3;
	v4 =	vand.u32 $0xFFFFFFF0, v63  }
0xc8: {  	v3 =	vor.u32 v3, v4  }
0xc9: {  	v4 =	vperm.xlane v3, v0;
	_ =	sdelay $0x1  }
0xca: {  	v3 =	vperm.xlane v3, v2;
	v4 =	vadd.s32 v1, v4;
	_ =	sdelay $0x1  }
0xcb: {  	v3 =	vadd.s32 v1, v3;
	_ =	sdelay $0x2  }
0xcc: {  	[tilespmem:s16], [sflag:$0x2] =	stream.indirect_vreg.gather [hbm4b:s3+s2], $0x80, v4, vm0, $0xb8;
	[tilespmem:$0x10600] =	vst v63  }
0xcd: {  	_ = 	snop  }
0xce: {  	[tilespmem:s17], [sflag:$0x2] =	stream.indirect_vreg.gather [hbm4b:s3+s2], $0x80, v3, vm0, $0xb8;
	[tilespmem:$0x10600] =	vst v63  }
0xcf: {  	_ =	swait.ge [sflag:s18], $0x8000  }
0xd0: {  	p0 =	seq.s32 s21, $0xA000;
	[sflag:s18] =	ssyncset.done $0x0  }
.Ltmp4:
0xd1: {  	s22 =	sadd.s32 s21, s6;
	[sflag:s18] =	ssyncadd.s32 $0xFFFF8000;
	(pc) =	sbr.rel @p0 .LBB2_4-.Ltmp4, $4  }
0xd2: {  	[hbm4b:s22+s2] =	stream.linear.scatter [tilespmem:s11], [sflag:$0x3], $0x8000, $0x38;
	[tilespmem:$0x10600] =	vst v63  }
0xd3: {  	_ =	swait.ge [sflag:s10], $0x8000  }
0xd4: {  	[sflag:s10] =	ssyncset.done $0x0  }
0xd5: {  	[sflag:s10] =	ssyncadd.s32 $0xFFFF8000  }
0xd6: {  	v3 =	vld [tilespmem:s20+$0x40];
	_ =	sdelay $0x4  }
0xd7: {  	v4 =	vshll.u32 v3, $0x1  }
0xd8: {  	v3 =	vand.u32 $0x7, v3;
	v4 =	vand.u32 $0xFFFFFFF0, v4  }
0xd9: {  	v3 =	vor.u32 v3, v4  }
0xda: {  	v4 =	vperm.xlane v3, v0;
	_ =	sdelay $0x1  }
0xdb: {  	v3 =	vperm.xlane v3, v2;
	v4 =	vadd.s32 v1, v4;
	_ =	sdelay $0x1  }
0xdc: {  	v3 =	vadd.s32 v1, v3;
	_ =	sdelay $0x2  }
0xdd: {  	[tilespmem:s11], [sflag:$0x1] =	stream.indirect_vreg.gather [hbm4b:s3+s2], $0x80, v4, vm0, $0xb8;
	[tilespmem:$0x10600] =	vst v63  }
0xde: {  	s22 =	simm.s32 $0xE00  }
0xdf: {  	[tilespmem:s22], [sflag:$0x1] =	stream.indirect_vreg.gather [hbm4b:s3+s2], $0x80, v3, vm0, $0xb8;
	[tilespmem:$0x10600] =	vst v63  }
0xe0: {  	v3 =	vld [tilespmem:s20+$0x50];
	_ =	sdelay $0x4  }
0xe1: {  	v57 =	vshll.u32 v3, $0x1  }
0xe2: {  	v3 =	vand.u32 $0x7, v3;
	v4 =	vand.u32 $0xFFFFFFF0, v57  }
0xe3: {  	v3 =	vor.u32 v3, v4  }
0xe4: {  	v4 =	vperm.xlane v3, v0;
	_ =	sdelay $0x1  }
0xe5: {  	v3 =	vperm.xlane v3, v2;
	v4 =	vadd.s32 v1, v4;
	_ =	sdelay $0x1  }
0xe6: {  	v3 =	vadd.s32 v1, v3;
	_ =	sdelay $0x1  }
0xe7: {  	s22 =	simm.s32 $0x1600  }
0xe8: {  	[tilespmem:s22], [sflag:$0x1] =	stream.indirect_vreg.gather [hbm4b:s3+s2], $0x80, v4, vm0, $0xb8;
	[tilespmem:$0x10600] =	vst v63  }
0xe9: {  	s22 =	simm.s32 $0x1E00  }
0xea: {  	[tilespmem:s22], [sflag:$0x1] =	stream.indirect_vreg.gather [hbm4b:s3+s2], $0x80, v3, vm0, $0xb8;
	[tilespmem:$0x10600] =	vst v63  }
0xeb: {  	v3 =	vld [tilespmem:s20+$0x60];
	_ =	sdelay $0x4  }
0xec: {  	v58 =	vshll.u32 v3, $0x1  }
0xed: {  	v3 =	vand.u32 $0x7, v3;
	v4 =	vand.u32 $0xFFFFFFF0, v58  }
0xee: {  	v3 =	vor.u32 v3, v4  }
0xef: {  	v4 =	vperm.xlane v3, v0;
	_ =	sdelay $0x1  }
0xf0: {  	v3 =	vperm.xlane v3, v2;
	v4 =	vadd.s32 v1, v4;
	_ =	sdelay $0x1  }
0xf1: {  	v3 =	vadd.s32 v1, v3;
	_ =	sdelay $0x1  }
0xf2: {  	s22 =	simm.s32 $0x2600  }
0xf3: {  	[tilespmem:s22], [sflag:$0x1] =	stream.indirect_vreg.gather [hbm4b:s3+s2], $0x80, v4, vm0, $0xb8;
	[tilespmem:$0x10600] =	vst v63  }
0xf4: {  	s22 =	simm.s32 $0x2E00  }
0xf5: {  	[tilespmem:s22], [sflag:$0x1] =	stream.indirect_vreg.gather [hbm4b:s3+s2], $0x80, v3, vm0, $0xb8;
	[tilespmem:$0x10600] =	vst v63  }
0xf6: {  	v3 =	vld [tilespmem:s20+$0x70];
	_ =	sdelay $0x4  }
0xf7: {  	v59 =	vshll.u32 v3, $0x1  }
0xf8: {  	v3 =	vand.u32 $0x7, v3;
	v4 =	vand.u32 $0xFFFFFFF0, v59  }
0xf9: {  	v3 =	vor.u32 v3, v4  }
0xfa: {  	v4 =	vperm.xlane v3, v0;
	_ =	sdelay $0x1  }
0xfb: {  	v3 =	vperm.xlane v3, v2;
	v4 =	vadd.s32 v1, v4;
	_ =	sdelay $0x1  }
0xfc: {  	v3 =	vadd.s32 v1, v3;
	_ =	sdelay $0x1  }
0xfd: {  	s22 =	simm.s32 $0x3600  }
0xfe: {  	[tilespmem:s22], [sflag:$0x1] =	stream.indirect_vreg.gather [hbm4b:s3+s2], $0x80, v4, vm0, $0xb8;
	[tilespmem:$0x10600] =	vst v63  }
0xff: {  	s22 =	simm.s32 $0x3E00  }
0x100: {  	[tilespmem:s22], [sflag:$0x1] =	stream.indirect_vreg.gather [hbm4b:s3+s2], $0x80, v3, vm0, $0xb8;
	[tilespmem:$0x10600] =	vst v63  }
0x101: {  	v3 =	vld [tilespmem:s20+$0x80];
	_ =	sdelay $0x4  }
0x102: {  	v60 =	vshll.u32 v3, $0x1  }
0x103: {  	v3 =	vand.u32 $0x7, v3;
	v4 =	vand.u32 $0xFFFFFFF0, v60  }
0x104: {  	v3 =	vor.u32 v3, v4  }
0x105: {  	v4 =	vperm.xlane v3, v0;
	_ =	sdelay $0x1  }
0x106: {  	v3 =	vperm.xlane v3, v2;
	v4 =	vadd.s32 v1, v4;
	_ =	sdelay $0x1  }
0x107: {  	v3 =	vadd.s32 v1, v3;
	_ =	sdelay $0x1  }
0x108: {  	s22 =	simm.s32 $0x4600  }
0x109: {  	[tilespmem:s22], [sflag:$0x1] =	stream.indirect_vreg.gather [hbm4b:s3+s2], $0x80, v4, vm0, $0xb8;
	[tilespmem:$0x10600] =	vst v63  }
0x10a: {  	s22 =	simm.s32 $0x4E00  }
0x10b: {  	[tilespmem:s22], [sflag:$0x1] =	stream.indirect_vreg.gather [hbm4b:s3+s2], $0x80, v3, vm0, $0xb8;
	[tilespmem:$0x10600] =	vst v63  }
0x10c: {  	v3 =	vld [tilespmem:s20+$0x90];
	_ =	sdelay $0x4  }
0x10d: {  	v61 =	vshll.u32 v3, $0x1  }
0x10e: {  	v3 =	vand.u32 $0x7, v3;
	v4 =	vand.u32 $0xFFFFFFF0, v61  }
0x10f: {  	v3 =	vor.u32 v3, v4  }
0x110: {  	v4 =	vperm.xlane v3, v0;
	_ =	sdelay $0x1  }
0x111: {  	v3 =	vperm.xlane v3, v2;
	v4 =	vadd.s32 v1, v4;
	_ =	sdelay $0x1  }
0x112: {  	v3 =	vadd.s32 v1, v3;
	_ =	sdelay $0x1  }
0x113: {  	s22 =	simm.s32 $0x5600  }
0x114: {  	[tilespmem:s22], [sflag:$0x1] =	stream.indirect_vreg.gather [hbm4b:s3+s2], $0x80, v4, vm0, $0xb8;
	[tilespmem:$0x10600] =	vst v63  }
0x115: {  	s22 =	simm.s32 $0x5E00  }
0x116: {  	[tilespmem:s22], [sflag:$0x1] =	stream.indirect_vreg.gather [hbm4b:s3+s2], $0x80, v3, vm0, $0xb8;
	[tilespmem:$0x10600] =	vst v63  }
0x117: {  	v3 =	vld [tilespmem:s20+$0xA0];
	_ =	sdelay $0x4  }
0x118: {  	v62 =	vshll.u32 v3, $0x1  }
0x119: {  	v3 =	vand.u32 $0x7, v3;
	v4 =	vand.u32 $0xFFFFFFF0, v62  }
0x11a: {  	v3 =	vor.u32 v3, v4  }
0x11b: {  	v4 =	vperm.xlane v3, v0;
	_ =	sdelay $0x1  }
0x11c: {  	v3 =	vperm.xlane v3, v2;
	v4 =	vadd.s32 v1, v4;
	_ =	sdelay $0x1  }
0x11d: {  	v3 =	vadd.s32 v1, v3;
	_ =	sdelay $0x2  }
0x11e: {  	[tilespmem:s23], [sflag:$0x1] =	stream.indirect_vreg.gather [hbm4b:s3+s2], $0x80, v4, vm0, $0xb8;
	[tilespmem:$0x10600] =	vst v63  }
0x11f: {  	_ = 	snop  }
0x120: {  	[tilespmem:s24], [sflag:$0x1] =	stream.indirect_vreg.gather [hbm4b:s3+s2], $0x80, v3, vm0, $0xb8;
	[tilespmem:$0x10600] =	vst v63  }
0x121: {  	v3 =	vld [tilespmem:s20+$0xB0];
	_ =	sdelay $0x4  }
0x122: {  	v63 =	vshll.u32 v3, $0x1  }
0x123: {  	v3 =	vand.u32 $0x7, v3;
	v4 =	vand.u32 $0xFFFFFFF0, v63  }
0x124: {  	v3 =	vor.u32 v3, v4  }
0x125: {  	v4 =	vperm.xlane v3, v0;
	_ =	sdelay $0x1  }
0x126: {  	v3 =	vperm.xlane v3, v2;
	v4 =	vadd.s32 v1, v4;
	_ =	sdelay $0x1  }
0x127: {  	v3 =	vadd.s32 v1, v3  }
.Ltmp5:
0x128: {  	_ = 	snop;
	(pc) =	sbr.rel .LBB2_4-.Ltmp5, $4  }
0x129: {  	_ = 	snop  }
0x12a: {  	[tilespmem:s25], [sflag:$0x1] =	stream.indirect_vreg.gather [hbm4b:s3+s2], $0x80, v4, vm0, $0xb8;
	[tilespmem:$0x10600] =	vst v63  }
0x12b: {  	_ = 	snop  }
0x12c: {  	[tilespmem:s26], [sflag:$0x1] =	stream.indirect_vreg.gather [hbm4b:s3+s2], $0x80, v3, vm0, $0xb8;
	[tilespmem:$0x10600] =	vst v63  }
.LBB2_6:
0x12d: {  	_ =	sfence.sel $0x180000  }
0x12e: {  	[bflag:$0x0] =	sbarrier.arrive $0xFFFF  }
0x12f: {  	_ =	strace $0x90000047  }
0x130: {  	s0 =	stileid.u32;
	[bflag:$0x2] =	sbarrier.arrive $0xFFFF  }
0x131: {  	p0 =	sne.s32 s0, $0x0;
	s0 =	rddreg [dreg:$0x1]  }
0x132: {  	s0 =	sadd.s32 @!p0 $0x100000, s0  }
0x133: {  	[sflag:s0] =	ssyncadd.tile.s32 @!p0 $0x1;
	_ =	shalt  }
.Lfunc_end2:
_tile_overlayer_lowered:
.L_overlay_start_2:
0x134: {  	(tag) =	ssettag $0x2  }
0x135: {  	s0 =	rddreg [dreg:$0x0];
	s2 =	stileid.u32  }
0x136: {  	s1 =	rddreg [dreg:$0x1];
	p0 =	sne.s32 s2, $0x0  }
0x137: {  	s3 =	rddreg [dreg:$0x2];
	[bflag:$0x3] =	sbarrier.arrive $0xFFFF;
	s2 =	simm.s32 @!p0 $0x1C03  }
0x138: {  	[timem:s3], [sflag:s2] =	dma.local @!p0 [hbm:s0], s1  }
0x139: {  	s0 =	simm.s32 @!p0 $0x3  }
0x13a: {  	_ =	swait.ge @!p0 [sflag:s0], s1  }
0x13b: {  	s1 =	ssub.s32 @!p0 $0x0, s1;
	[sflag:s0] =	ssyncset.done @!p0 $0x0  }
0x13c: {  	[sflag:s0] =	ssyncadd.s32 @!p0 s1  }
0x13d: {  	[bflag:$0x3] =	sbarrier.arrive $0xFFFF  }
0x13e: {  	_ =	shalt  }

</sc_bundles>
